<compile_context>
chip_gen: v7x
topology: tpu7x:2x2x1
jax: 0.10.2.dev20260603
libtpu: 0.0.44.dev20260713+nightly
codegen_flags: <defaults>
</compile_context>

<pallas_src>
import functools

import jax
import jax.numpy as jnp
from jax import lax
from jax.experimental import pallas as pl
from jax.experimental.pallas import tpu as pltpu
from jax.experimental.pallas import tpu_sc as plsc

_DIM = 64
_NC = 2
_NS = 16
_NW = _NC * _NS

_CHUNK = 200
_LANES = 16
_ROW_UNROLL = 8

_SPLITS = [(o, min(128, _CHUNK - o)) for o in range(0, _CHUNK, 128)]


def _pe_concat_kernel(n_iters, x_ref, t_ref, pe2_ref, out_ref,
                      idx_a, outv_a, xv_a, idx_b, outv_b, xv_b,
                      sem_a, sem_b, sem_wa, sem_wb):
    wid = lax.axis_index("s") * _NC + lax.axis_index("c")
    start = wid * n_iters * 2 * _CHUNK

    def stage(base, idx_v, outv, xv, sem):
        pltpu.sync_copy(t_ref.at[pl.ds(base, _CHUNK)], idx_v)
        copies = []
        for off, cnt in _SPLITS:
            copies.append(pltpu.async_copy(
                pe2_ref.at[idx_v.at[pl.ds(off, cnt)]],
                outv.at[pl.ds(off, cnt)],
                sem))
        copies.append(pltpu.async_copy(
            x_ref.at[pl.ds(base, _CHUNK)], xv, sem))
        return copies

    def interleave(outv, xv):
        def vbody(k, _):
            r0 = k * _ROW_UNROLL
            for u in range(_ROW_UNROLL):
                for c in range(_DIM // _LANES):
                    outv[r0 + u, pl.ds(c * _LANES, _LANES)] = (
                        xv[r0 + u, pl.ds(c * _LANES, _LANES)])
            return ()
        lax.fori_loop(0, _CHUNK // _ROW_UNROLL, vbody, ())

    def body(it, _):
        base_a = start + it * 2 * _CHUNK
        base_b = base_a + _CHUNK

        @pl.when(it >= 1)
        def _drain_a():
            pltpu.make_async_copy(
                outv_a, out_ref.at[pl.ds(base_a - 2 * _CHUNK, _CHUNK)],
                sem_wa).wait()

        copies_a = stage(base_a, idx_a, outv_a, xv_a, sem_a)

        @pl.when(it >= 1)
        def _drain_b():
            pltpu.make_async_copy(
                outv_b, out_ref.at[pl.ds(base_b - 2 * _CHUNK, _CHUNK)],
                sem_wb).wait()

        copies_b = stage(base_b, idx_b, outv_b, xv_b, sem_b)

        for c in copies_a:
            c.wait()
        interleave(outv_a, xv_a)
        pltpu.async_copy(outv_a, out_ref.at[pl.ds(base_a, _CHUNK)], sem_wa)

        for c in copies_b:
            c.wait()
        interleave(outv_b, xv_b)
        pltpu.async_copy(outv_b, out_ref.at[pl.ds(base_b, _CHUNK)], sem_wb)
        return ()

    lax.fori_loop(0, n_iters, body, ())

    last_a = start + (n_iters - 1) * 2 * _CHUNK
    pltpu.make_async_copy(outv_a, out_ref.at[pl.ds(last_a, _CHUNK)],
                          sem_wa).wait()
    pltpu.make_async_copy(outv_b, out_ref.at[pl.ds(last_a + _CHUNK, _CHUNK)],
                          sem_wb).wait()


def kernel(x, t, pe):
    batch, seq, dim = x.shape
    n = batch * seq
    assert n % (_NW * 2 * _CHUNK) == 0
    n_iters = n // (_NW * 2 * _CHUNK)

    x2 = x.reshape(n, dim)
    t1 = t.reshape(n)
    pe2 = jnp.concatenate([jnp.zeros_like(pe), pe], axis=1)

    mesh = plsc.VectorSubcoreMesh(core_axis_name="c", subcore_axis_name="s")
    out = pl.kernel(
        functools.partial(_pe_concat_kernel, n_iters),
        out_type=jax.ShapeDtypeStruct((n, 2 * dim), jnp.float32),
        mesh=mesh,
        scratch_types=[
            pltpu.VMEM((_CHUNK,), jnp.int32),
            pltpu.VMEM((_CHUNK, 2 * dim), jnp.float32),
            pltpu.VMEM((_CHUNK, dim), jnp.float32),
            pltpu.VMEM((_CHUNK,), jnp.int32),
            pltpu.VMEM((_CHUNK, 2 * dim), jnp.float32),
            pltpu.VMEM((_CHUNK, dim), jnp.float32),
            pltpu.SemaphoreType.DMA,
            pltpu.SemaphoreType.DMA,
            pltpu.SemaphoreType.DMA,
            pltpu.SemaphoreType.DMA,
        ],
    )(x2, t1, pe2)
    return out.reshape(batch, seq, 2 * dim)

# --- scband reference (transcript-rebuilt; emitter-appended) ---
"""Pipeline reference for scband-positional-encoding-46411416601147 (READ-ONLY COPY).

The authoritative reference and input builder live on the scoring server;
editing this copy changes nothing except your own understanding.
"""

import jax, jax.numpy as jnp
import numpy as np
import math

DIM = 64
MAX_LEN = 4096
BATCH = 4096
SEQ = 200

def _build_pe(max_len, dim):
    position = np.arange(0, max_len, dtype=np.float32)[:, None]
    div_term = np.exp(np.arange(0, dim, 2).astype(np.float32) * -(math.log(10000.0) / dim))
    pe = np.zeros((max_len, dim), dtype=np.float32)
    pe[:, 0::2] = np.sin(position * div_term)
    pe[:, 1::2] = np.cos(position * div_term)
    return jnp.asarray(pe)

def setup_inputs(seed: int = 0) -> dict:
    key = jax.random.key(seed)
    k1, k2 = jax.random.split(key)
    x = jax.random.normal(k1, (BATCH, SEQ, DIM), dtype=jnp.float32)
    t = jax.random.randint(k2, (BATCH, SEQ), 0, MAX_LEN, dtype=jnp.int32)
    pe = _build_pe(MAX_LEN, DIM)
    return {"x": x, "t": t, "pe": pe}

def reference(x, t, pe):
    # t is a tensor: x has shape [..., num_timesteps, dim], t has shape [..., num_timesteps]
    # pe_lookup = pe[t] -> gather rows of the positional table
    pe_lookup = jnp.take(pe, t, axis=0)  # [BATCH, SEQ, DIM]
    # concat=True branch
    return jnp.concatenate([x, pe_lookup], axis=-1)  # [BATCH, SEQ, 2*DIM]

if __name__ == "__main__":
    import jax
    _d = setup_inputs()
    print(jax.jit(kernel)(*tuple(_d.values())))

</pallas_src>

<mosaic_0001>
#map = affine_map<(d0, d1) -> (0, 0)>
#map1 = affine_map<(d0, d1) -> (0)>
module attributes {stable_mosaic.version = 14 : i64} {
  func.func @_pe_concat_kernel(%arg0: i32, %arg1: i32, %arg2: memref<819200x64xf32, #tpu.memory_space<hbm>>, %arg3: memref<819200xi32, #tpu.memory_space<hbm>>, %arg4: memref<4096x128xf32, #tpu.memory_space<hbm>>, %arg5: memref<819200x128xf32, #tpu.memory_space<hbm>>, %arg6: memref<200xi32, #tpu.memory_space<vmem>>, %arg7: memref<200x128xf32, #tpu.memory_space<vmem>>, %arg8: memref<200x64xf32, #tpu.memory_space<vmem>>, %arg9: memref<200xi32, #tpu.memory_space<vmem>>, %arg10: memref<200x128xf32, #tpu.memory_space<vmem>>, %arg11: memref<200x64xf32, #tpu.memory_space<vmem>>, %arg12: memref<!tpu.dma_semaphore, #tpu.memory_space<semaphore_mem>>, %arg13: memref<!tpu.dma_semaphore, #tpu.memory_space<semaphore_mem>>, %arg14: memref<!tpu.dma_semaphore, #tpu.memory_space<semaphore_mem>>, %arg15: memref<!tpu.dma_semaphore, #tpu.memory_space<semaphore_mem>>) attributes {dimension_semantics = [#tpu.dimension_semantics<core_parallel>, #tpu.dimension_semantics<subcore_parallel>], iteration_bounds = array<i64: 2, 16>, scalar_prefetch = 0 : i64, scratch_operands = 10 : i64, tpu.core_type = #tpu.core_type<sc_vector_subcore>, window_params = [{transform_indices = #map}, {transform_indices = #map1}, {transform_indices = #map}, {transform_indices = #map}]} {
    %mul3A = arith.constant 2 : i32
    %mul3A_0 = arith.muli %arg1, %mul3A : i32
    %add3A = arith.addi %mul3A_0, %arg0 : i32
    %mul3A_1 = arith.constant 64 : i32
    %mul3A_2 = arith.muli %add3A, %mul3A_1 : i32
    %mul3A_3 = arith.constant 2 : i32
    %mul3A_4 = arith.muli %mul3A_2, %mul3A_3 : i32
    %mul3A_5 = arith.constant 200 : i32
    %mul3A_6 = arith.muli %mul3A_4, %mul3A_5 : i32
    %scan3A = arith.constant 0 : i32
    %scan3A_7 = arith.constant 64 : i32
    %scan3A_8 = arith.addi %scan3A, %scan3A_7 : i32
    %scan3A_9 = arith.constant 1 : i32
    scf.for %scan3A_22 = %scan3A to %scan3A_8 step %scan3A_9  : i32 {
      %mul3A_23 = arith.constant 2 : i32
      %mul3A_24 = arith.muli %scan3A_22, %mul3A_23 : i32
      %mul3A_25 = arith.constant 200 : i32
      %mul3A_26 = arith.muli %mul3A_24, %mul3A_25 : i32
      %add3A_27 = arith.addi %mul3A_6, %mul3A_26 : i32
      %add3A_28 = arith.constant 200 : i32
      %add3A_29 = arith.addi %add3A_27, %add3A_28 : i32
      %ge3A = arith.constant 1 : i32
      %ge3A_30 = arith.cmpi sge, %scan3A_22, %ge3A : i32
      %convert_element_type3A = arith.extui %ge3A_30 : i1 to i32
      %cond3A = arith.constant 0 : i32
      %cond3A_31 = arith.cmpi ne, %convert_element_type3A, %cond3A : i32
      scf.if %cond3A_31 {
        %sub3A = arith.constant 400 : i32
        %sub3A_134 = arith.subi %add3A_27, %sub3A : i32
        %dma_wait3A_135 = arith.constant 0 : i32
        %dma_wait3A_136 = tpu.memref_slice %arg5[%sub3A_134, %dma_wait3A_135] : memref<819200x128xf32, #tpu.memory_space<hbm>> -> memref<200x128xf32, #tpu.memory_space<hbm>>
        %dma_wait3A_137 = arith.constant 0 : i32
        %dma_wait3A_138 = tpu.memref_slice %arg5[%sub3A_134, %dma_wait3A_137] : memref<819200x128xf32, #tpu.memory_space<hbm>> -> memref<200x128xf32, #tpu.memory_space<hbm>>
        tpu.wait_dma2 semaphore(%arg14 : memref<!tpu.dma_semaphore, #tpu.memory_space<semaphore_mem>>) src(%arg7 : memref<200x128xf32, #tpu.memory_space<vmem>>) dst(%dma_wait3A_138 : memref<200x128xf32, #tpu.memory_space<hbm>>)
      } else {
      }
      "tpu.region"() ({
        %run_scoped3A = tpu.sem_alloc : memref<!tpu.dma_semaphore, #tpu.memory_space<semaphore_mem>>
        %dma_start3A_134 = tpu.memref_slice %arg3[%add3A_27] : memref<819200xi32, #tpu.memory_space<hbm>> -> memref<200xi32, #tpu.memory_space<hbm>>
        %dma_start3A_135 = tpu.memref_slice %arg3[%add3A_27] : memref<819200xi32, #tpu.memory_space<hbm>> -> memref<200xi32, #tpu.memory_space<hbm>>
        tpu.enqueue_dma source(%dma_start3A_135 : memref<200xi32, #tpu.memory_space<hbm>>) target(%arg6 : memref<200xi32, #tpu.memory_space<vmem>>) target_semaphore(%run_scoped3A : memref<!tpu.dma_semaphore, #tpu.memory_space<semaphore_mem>>)
        %dma_wait3A_136 = tpu.memref_slice %arg3[%add3A_27] : memref<819200xi32, #tpu.memory_space<hbm>> -> memref<200xi32, #tpu.memory_space<hbm>>
        %dma_wait3A_137 = tpu.memref_slice %arg3[%add3A_27] : memref<819200xi32, #tpu.memory_space<hbm>> -> memref<200xi32, #tpu.memory_space<hbm>>
        tpu.wait_dma2 semaphore(%run_scoped3A : memref<!tpu.dma_semaphore, #tpu.memory_space<semaphore_mem>>) src(%dma_wait3A_137 : memref<200xi32, #tpu.memory_space<hbm>>) dst(%arg6 : memref<200xi32, #tpu.memory_space<vmem>>)
        tpu.yield
      }) : () -> ()
      %dma_start3A = arith.constant 0 : i32
      %dma_start3A_32 = arith.constant 0 : i32
      %dma_start3A_33 = tpu.memref_slice %arg7[%dma_start3A, %dma_start3A_32] : memref<200x128xf32, #tpu.memory_space<vmem>> -> memref<128x128xf32, #tpu.memory_space<vmem>>
      %dma_start3A_34 = arith.constant 0 : i32
      %dma_start3A_35 = tpu.memref_slice %arg6[%dma_start3A_34] : memref<200xi32, #tpu.memory_space<vmem>> -> memref<128xi32, #tpu.memory_space<vmem>>
      %dma_start3A_36 = arith.constant 0 : i32
      %dma_start3A_37 = arith.constant 0 : i32
      %dma_start3A_38 = tpu.memref_slice %arg4[%dma_start3A_36, %dma_start3A_37] : memref<4096x128xf32, #tpu.memory_space<hbm>> -> memref<4096x128xf32, #tpu.memory_space<hbm>>
      tpu.enqueue_indirect_dma source(%dma_start3A_38 : memref<4096x128xf32, #tpu.memory_space<hbm>>) target(%dma_start3A_33 : memref<128x128xf32, #tpu.memory_space<vmem>>) offsets(%dma_start3A_35 : memref<128xi32, #tpu.memory_space<vmem>>) semaphore(%arg12 : memref<!tpu.dma_semaphore, #tpu.memory_space<semaphore_mem>>)
      %dma_start3A_39 = arith.constant 128 : i32
      %dma_start3A_40 = arith.constant 0 : i32
      %dma_start3A_41 = tpu.memref_slice %arg7[%dma_start3A_39, %dma_start3A_40] : memref<200x128xf32, #tpu.memory_space<vmem>> -> memref<72x128xf32, #tpu.memory_space<vmem>>
      %dma_start3A_42 = arith.constant 128 : i32
      %dma_start3A_43 = tpu.memref_slice %arg6[%dma_start3A_42] : memref<200xi32, #tpu.memory_space<vmem>> -> memref<72xi32, #tpu.memory_space<vmem>>
      %dma_start3A_44 = arith.constant 0 : i32
      %dma_start3A_45 = arith.constant 0 : i32
      %dma_start3A_46 = tpu.memref_slice %arg4[%dma_start3A_44, %dma_start3A_45] : memref<4096x128xf32, #tpu.memory_space<hbm>> -> memref<4096x128xf32, #tpu.memory_space<hbm>>
      tpu.enqueue_indirect_dma source(%dma_start3A_46 : memref<4096x128xf32, #tpu.memory_space<hbm>>) target(%dma_start3A_41 : memref<72x128xf32, #tpu.memory_space<vmem>>) offsets(%dma_start3A_43 : memref<72xi32, #tpu.memory_space<vmem>>) semaphore(%arg12 : memref<!tpu.dma_semaphore, #tpu.memory_space<semaphore_mem>>)
      %dma_start3A_47 = arith.constant 0 : i32
      %dma_start3A_48 = tpu.memref_slice %arg2[%add3A_27, %dma_start3A_47] : memref<819200x64xf32, #tpu.memory_space<hbm>> -> memref<200x64xf32, #tpu.memory_space<hbm>>
      %dma_start3A_49 = arith.constant 0 : i32
      %dma_start3A_50 = tpu.memref_slice %arg2[%add3A_27, %dma_start3A_49] : memref<819200x64xf32, #tpu.memory_space<hbm>> -> memref<200x64xf32, #tpu.memory_space<hbm>>
      tpu.enqueue_dma source(%dma_start3A_50 : memref<200x64xf32, #tpu.memory_space<hbm>>) target(%arg8 : memref<200x64xf32, #tpu.memory_space<vmem>>) target_semaphore(%arg12 : memref<!tpu.dma_semaphore, #tpu.memory_space<semaphore_mem>>)
      %ge3A_51 = arith.constant 1 : i32
      %ge3A_52 = arith.cmpi sge, %scan3A_22, %ge3A_51 : i32
      %convert_element_type3A_53 = arith.extui %ge3A_52 : i1 to i32
      %cond3A_54 = arith.constant 0 : i32
      %cond3A_55 = arith.cmpi ne, %convert_element_type3A_53, %cond3A_54 : i32
      scf.if %cond3A_55 {
        %sub3A = arith.constant 400 : i32
        %sub3A_134 = arith.subi %add3A_29, %sub3A : i32
        %dma_wait3A_135 = arith.constant 0 : i32
        %dma_wait3A_136 = tpu.memref_slice %arg5[%sub3A_134, %dma_wait3A_135] : memref<819200x128xf32, #tpu.memory_space<hbm>> -> memref<200x128xf32, #tpu.memory_space<hbm>>
        %dma_wait3A_137 = arith.constant 0 : i32
        %dma_wait3A_138 = tpu.memref_slice %arg5[%sub3A_134, %dma_wait3A_137] : memref<819200x128xf32, #tpu.memory_space<hbm>> -> memref<200x128xf32, #tpu.memory_space<hbm>>
        tpu.wait_dma2 semaphore(%arg15 : memref<!tpu.dma_semaphore, #tpu.memory_space<semaphore_mem>>) src(%arg10 : memref<200x128xf32, #tpu.memory_space<vmem>>) dst(%dma_wait3A_138 : memref<200x128xf32, #tpu.memory_space<hbm>>)
      } else {
      }
      "tpu.region"() ({
        %run_scoped3A = tpu.sem_alloc : memref<!tpu.dma_semaphore, #tpu.memory_space<semaphore_mem>>
        %dma_start3A_134 = tpu.memref_slice %arg3[%add3A_29] : memref<819200xi32, #tpu.memory_space<hbm>> -> memref<200xi32, #tpu.memory_space<hbm>>
        %dma_start3A_135 = tpu.memref_slice %arg3[%add3A_29] : memref<819200xi32, #tpu.memory_space<hbm>> -> memref<200xi32, #tpu.memory_space<hbm>>
        tpu.enqueue_dma source(%dma_start3A_135 : memref<200xi32, #tpu.memory_space<hbm>>) target(%arg9 : memref<200xi32, #tpu.memory_space<vmem>>) target_semaphore(%run_scoped3A : memref<!tpu.dma_semaphore, #tpu.memory_space<semaphore_mem>>)
        %dma_wait3A_136 = tpu.memref_slice %arg3[%add3A_29] : memref<819200xi32, #tpu.memory_space<hbm>> -> memref<200xi32, #tpu.memory_space<hbm>>
        %dma_wait3A_137 = tpu.memref_slice %arg3[%add3A_29] : memref<819200xi32, #tpu.memory_space<hbm>> -> memref<200xi32, #tpu.memory_space<hbm>>
        tpu.wait_dma2 semaphore(%run_scoped3A : memref<!tpu.dma_semaphore, #tpu.memory_space<semaphore_mem>>) src(%dma_wait3A_137 : memref<200xi32, #tpu.memory_space<hbm>>) dst(%arg9 : memref<200xi32, #tpu.memory_space<vmem>>)
        tpu.yield
      }) : () -> ()
      %dma_start3A_56 = arith.constant 0 : i32
      %dma_start3A_57 = arith.constant 0 : i32
      %dma_start3A_58 = tpu.memref_slice %arg10[%dma_start3A_56, %dma_start3A_57] : memref<200x128xf32, #tpu.memory_space<vmem>> -> memref<128x128xf32, #tpu.memory_space<vmem>>
      %dma_start3A_59 = arith.constant 0 : i32
      %dma_start3A_60 = tpu.memref_slice %arg9[%dma_start3A_59] : memref<200xi32, #tpu.memory_space<vmem>> -> memref<128xi32, #tpu.memory_space<vmem>>
      %dma_start3A_61 = arith.constant 0 : i32
      %dma_start3A_62 = arith.constant 0 : i32
      %dma_start3A_63 = tpu.memref_slice %arg4[%dma_start3A_61, %dma_start3A_62] : memref<4096x128xf32, #tpu.memory_space<hbm>> -> memref<4096x128xf32, #tpu.memory_space<hbm>>
      tpu.enqueue_indirect_dma source(%dma_start3A_63 : memref<4096x128xf32, #tpu.memory_space<hbm>>) target(%dma_start3A_58 : memref<128x128xf32, #tpu.memory_space<vmem>>) offsets(%dma_start3A_60 : memref<128xi32, #tpu.memory_space<vmem>>) semaphore(%arg13 : memref<!tpu.dma_semaphore, #tpu.memory_space<semaphore_mem>>)
      %dma_start3A_64 = arith.constant 128 : i32
      %dma_start3A_65 = arith.constant 0 : i32
      %dma_start3A_66 = tpu.memref_slice %arg10[%dma_start3A_64, %dma_start3A_65] : memref<200x128xf32, #tpu.memory_space<vmem>> -> memref<72x128xf32, #tpu.memory_space<vmem>>
      %dma_start3A_67 = arith.constant 128 : i32
      %dma_start3A_68 = tpu.memref_slice %arg9[%dma_start3A_67] : memref<200xi32, #tpu.memory_space<vmem>> -> memref<72xi32, #tpu.memory_space<vmem>>
      %dma_start3A_69 = arith.constant 0 : i32
      %dma_start3A_70 = arith.constant 0 : i32
      %dma_start3A_71 = tpu.memref_slice %arg4[%dma_start3A_69, %dma_start3A_70] : memref<4096x128xf32, #tpu.memory_space<hbm>> -> memref<4096x128xf32, #tpu.memory_space<hbm>>
      tpu.enqueue_indirect_dma source(%dma_start3A_71 : memref<4096x128xf32, #tpu.memory_space<hbm>>) target(%dma_start3A_66 : memref<72x128xf32, #tpu.memory_space<vmem>>) offsets(%dma_start3A_68 : memref<72xi32, #tpu.memory_space<vmem>>) semaphore(%arg13 : memref<!tpu.dma_semaphore, #tpu.memory_space<semaphore_mem>>)
      %dma_start3A_72 = arith.constant 0 : i32
      %dma_start3A_73 = tpu.memref_slice %arg2[%add3A_29, %dma_start3A_72] : memref<819200x64xf32, #tpu.memory_space<hbm>> -> memref<200x64xf32, #tpu.memory_space<hbm>>
      %dma_start3A_74 = arith.constant 0 : i32
      %dma_start3A_75 = tpu.memref_slice %arg2[%add3A_29, %dma_start3A_74] : memref<819200x64xf32, #tpu.memory_space<hbm>> -> memref<200x64xf32, #tpu.memory_space<hbm>>
      tpu.enqueue_dma source(%dma_start3A_75 : memref<200x64xf32, #tpu.memory_space<hbm>>) target(%arg11 : memref<200x64xf32, #tpu.memory_space<vmem>>) target_semaphore(%arg13 : memref<!tpu.dma_semaphore, #tpu.memory_space<semaphore_mem>>)
      %dma_wait3A_76 = arith.constant 0 : i32
      %dma_wait3A_77 = arith.constant 0 : i32
      %dma_wait3A_78 = tpu.memref_slice %arg7[%dma_wait3A_76, %dma_wait3A_77] : memref<200x128xf32, #tpu.memory_space<vmem>> -> memref<128x128xf32, #tpu.memory_space<vmem>>
      %dma_wait3A_79 = arith.constant 0 : i32
      %dma_wait3A_80 = tpu.memref_slice %arg6[%dma_wait3A_79] : memref<200xi32, #tpu.memory_space<vmem>> -> memref<128xi32, #tpu.memory_space<vmem>>
      %dma_wait3A_81 = arith.constant 0 : i32
      %dma_wait3A_82 = arith.constant 0 : i32
      %dma_wait3A_83 = tpu.memref_slice %arg4[%dma_wait3A_81, %dma_wait3A_82] : memref<4096x128xf32, #tpu.memory_space<hbm>> -> memref<4096x128xf32, #tpu.memory_space<hbm>>
      tpu.wait_indirect_dma semaphore(%arg12 : memref<!tpu.dma_semaphore, #tpu.memory_space<semaphore_mem>>) src(%dma_wait3A_83 : memref<4096x128xf32, #tpu.memory_space<hbm>>) dst(%dma_wait3A_78 : memref<128x128xf32, #tpu.memory_space<vmem>>)
      %dma_wait3A_84 = arith.constant 128 : i32
      %dma_wait3A_85 = arith.constant 0 : i32
      %dma_wait3A_86 = tpu.memref_slice %arg7[%dma_wait3A_84, %dma_wait3A_85] : memref<200x128xf32, #tpu.memory_space<vmem>> -> memref<72x128xf32, #tpu.memory_space<vmem>>
      %dma_wait3A_87 = arith.constant 128 : i32
      %dma_wait3A_88 = tpu.memref_slice %arg6[%dma_wait3A_87] : memref<200xi32, #tpu.memory_space<vmem>> -> memref<72xi32, #tpu.memory_space<vmem>>
      %dma_wait3A_89 = arith.constant 0 : i32
      %dma_wait3A_90 = arith.constant 0 : i32
      %dma_wait3A_91 = tpu.memref_slice %arg4[%dma_wait3A_89, %dma_wait3A_90] : memref<4096x128xf32, #tpu.memory_space<hbm>> -> memref<4096x128xf32, #tpu.memory_space<hbm>>
      tpu.wait_indirect_dma semaphore(%arg12 : memref<!tpu.dma_semaphore, #tpu.memory_space<semaphore_mem>>) src(%dma_wait3A_91 : memref<4096x128xf32, #tpu.memory_space<hbm>>) dst(%dma_wait3A_86 : memref<72x128xf32, #tpu.memory_space<vmem>>)
      %dma_wait3A_92 = arith.constant 0 : i32
      %dma_wait3A_93 = tpu.memref_slice %arg2[%add3A_27, %dma_wait3A_92] : memref<819200x64xf32, #tpu.memory_space<hbm>> -> memref<200x64xf32, #tpu.memory_space<hbm>>
      %dma_wait3A_94 = arith.constant 0 : i32
      %dma_wait3A_95 = tpu.memref_slice %arg2[%add3A_27, %dma_wait3A_94] : memref<819200x64xf32, #tpu.memory_space<hbm>> -> memref<200x64xf32, #tpu.memory_space<hbm>>
      tpu.wait_dma2 semaphore(%arg12 : memref<!tpu.dma_semaphore, #tpu.memory_space<semaphore_mem>>) src(%dma_wait3A_95 : memref<200x64xf32, #tpu.memory_space<hbm>>) dst(%arg8 : memref<200x64xf32, #tpu.memory_space<vmem>>)
      %scan3A_96 = arith.constant 0 : i32
      %scan3A_97 = arith.constant 25 : i32
      %scan3A_98 = arith.addi %scan3A_96, %scan3A_97 : i32
      %scan3A_99 = arith.constant 1 : i32
      scf.for %scan3A_134 = %scan3A_96 to %scan3A_98 step %scan3A_99  : i32 {
        %mul3A_135 = arith.constant 8 : i32
        %mul3A_136 = arith.muli %scan3A_134, %mul3A_135 : i32
        %add3A_137 = arith.constant 0 : i32
        %add3A_138 = arith.addi %mul3A_136, %add3A_137 : i32
        %get3A = arith.index_cast %add3A_138 : i32 to index
        %get3A_139 = arith.constant 0 : index
        %get3A_140 = tpu.vector_load %arg8[%get3A, %get3A_139] {strides = array<i32>} : memref<200x64xf32, #tpu.memory_space<vmem>>, vector<1x16xf32>,
        %get3A_141 = vector.shape_cast %get3A_140 : vector<1x16xf32> to vector<16xf32>
        %add3A_142 = arith.constant 0 : i32
        %add3A_143 = arith.addi %mul3A_136, %add3A_142 : i32
        %swap3A = arith.index_cast %add3A_143 : i32 to index
        %swap3A_144 = arith.constant 0 : index
        %swap3A_145 = tpu.vector_load %arg7[%swap3A, %swap3A_144] {strides = array<i32>} : memref<200x128xf32, #tpu.memory_space<vmem>>, vector<1x16xf32>,
        %swap3A_146 = vector.shape_cast %swap3A_145 : vector<1x16xf32> to vector<16xf32>
        %swap3A_147 = vector.shape_cast %get3A_141 : vector<16xf32> to vector<1x16xf32>
        tpu.vector_store %arg7[%swap3A, %swap3A_144], %swap3A_147 {strides = array<i32>} : memref<200x128xf32, #tpu.memory_space<vmem>>, vector<1x16xf32>,
        %add3A_148 = arith.constant 0 : i32
        %add3A_149 = arith.addi %mul3A_136, %add3A_148 : i32
        %get3A_150 = arith.index_cast %add3A_149 : i32 to index
        %get3A_151 = arith.constant 16 : index
        %get3A_152 = tpu.vector_load %arg8[%get3A_150, %get3A_151] {strides = array<i32>} : memref<200x64xf32, #tpu.memory_space<vmem>>, vector<1x16xf32>,
        %get3A_153 = vector.shape_cast %get3A_152 : vector<1x16xf32> to vector<16xf32>
        %add3A_154 = arith.constant 0 : i32
        %add3A_155 = arith.addi %mul3A_136, %add3A_154 : i32
        %swap3A_156 = arith.index_cast %add3A_155 : i32 to index
        %swap3A_157 = arith.constant 16 : index
        %swap3A_158 = tpu.vector_load %arg7[%swap3A_156, %swap3A_157] {strides = array<i32>} : memref<200x128xf32, #tpu.memory_space<vmem>>, vector<1x16xf32>,
        %swap3A_159 = vector.shape_cast %swap3A_158 : vector<1x16xf32> to vector<16xf32>
        %swap3A_160 = vector.shape_cast %get3A_153 : vector<16xf32> to vector<1x16xf32>
        tpu.vector_store %arg7[%swap3A_156, %swap3A_157], %swap3A_160 {strides = array<i32>} : memref<200x128xf32, #tpu.memory_space<vmem>>, vector<1x16xf32>,
        %add3A_161 = arith.constant 0 : i32
        %add3A_162 = arith.addi %mul3A_136, %add3A_161 : i32
        %get3A_163 = arith.index_cast %add3A_162 : i32 to index
        %get3A_164 = arith.constant 32 : index
        %get3A_165 = tpu.vector_load %arg8[%get3A_163, %get3A_164] {strides = array<i32>} : memref<200x64xf32, #tpu.memory_space<vmem>>, vector<1x16xf32>,
        %get3A_166 = vector.shape_cast %get3A_165 : vector<1x16xf32> to vector<16xf32>
        %add3A_167 = arith.constant 0 : i32
        %add3A_168 = arith.addi %mul3A_136, %add3A_167 : i32
        %swap3A_169 = arith.index_cast %add3A_168 : i32 to index
        %swap3A_170 = arith.constant 32 : index
        %swap3A_171 = tpu.vector_load %arg7[%swap3A_169, %swap3A_170] {strides = array<i32>} : memref<200x128xf32, #tpu.memory_space<vmem>>, vector<1x16xf32>,
        %swap3A_172 = vector.shape_cast %swap3A_171 : vector<1x16xf32> to vector<16xf32>
        %swap3A_173 = vector.shape_cast %get3A_166 : vector<16xf32> to vector<1x16xf32>
        tpu.vector_store %arg7[%swap3A_169, %swap3A_170], %swap3A_173 {strides = array<i32>} : memref<200x128xf32, #tpu.memory_space<vmem>>, vector<1x16xf32>,
        %add3A_174 = arith.constant 0 : i32
        %add3A_175 = arith.addi %mul3A_136, %add3A_174 : i32
        %get3A_176 = arith.index_cast %add3A_175 : i32 to index
        %get3A_177 = arith.constant 48 : index
        %get3A_178 = tpu.vector_load %arg8[%get3A_176, %get3A_177] {strides = array<i32>} : memref<200x64xf32, #tpu.memory_space<vmem>>, vector<1x16xf32>,
        %get3A_179 = vector.shape_cast %get3A_178 : vector<1x16xf32> to vector<16xf32>
        %add3A_180 = arith.constant 0 : i32
        %add3A_181 = arith.addi %mul3A_136, %add3A_180 : i32
        %swap3A_182 = arith.index_cast %add3A_181 : i32 to index
        %swap3A_183 = arith.constant 48 : index
        %swap3A_184 = tpu.vector_load %arg7[%swap3A_182, %swap3A_183] {strides = array<i32>} : memref<200x128xf32, #tpu.memory_space<vmem>>, vector<1x16xf32>,
        %swap3A_185 = vector.shape_cast %swap3A_184 : vector<1x16xf32> to vector<16xf32>
        %swap3A_186 = vector.shape_cast %get3A_179 : vector<16xf32> to vector<1x16xf32>
        tpu.vector_store %arg7[%swap3A_182, %swap3A_183], %swap3A_186 {strides = array<i32>} : memref<200x128xf32, #tpu.memory_space<vmem>>, vector<1x16xf32>,
        %add3A_187 = arith.constant 1 : i32
        %add3A_188 = arith.addi %mul3A_136, %add3A_187 : i32
        %get3A_189 = arith.index_cast %add3A_188 : i32 to index
        %get3A_190 = arith.constant 0 : index
        %get3A_191 = tpu.vector_load %arg8[%get3A_189, %get3A_190] {strides = array<i32>} : memref<200x64xf32, #tpu.memory_space<vmem>>, vector<1x16xf32>,
        %get3A_192 = vector.shape_cast %get3A_191 : vector<1x16xf32> to vector<16xf32>
        %add3A_193 = arith.constant 1 : i32
        %add3A_194 = arith.addi %mul3A_136, %add3A_193 : i32
        %swap3A_195 = arith.index_cast %add3A_194 : i32 to index
        %swap3A_196 = arith.constant 0 : index
        %swap3A_197 = tpu.vector_load %arg7[%swap3A_195, %swap3A_196] {strides = array<i32>} : memref<200x128xf32, #tpu.memory_space<vmem>>, vector<1x16xf32>,
        %swap3A_198 = vector.shape_cast %swap3A_197 : vector<1x16xf32> to vector<16xf32>
        %swap3A_199 = vector.shape_cast %get3A_192 : vector<16xf32> to vector<1x16xf32>
        tpu.vector_store %arg7[%swap3A_195, %swap3A_196], %swap3A_199 {strides = array<i32>} : memref<200x128xf32, #tpu.memory_space<vmem>>, vector<1x16xf32>,
        %add3A_200 = arith.constant 1 : i32
        %add3A_201 = arith.addi %mul3A_136, %add3A_200 : i32
        %get3A_202 = arith.index_cast %add3A_201 : i32 to index
        %get3A_203 = arith.constant 16 : index
        %get3A_204 = tpu.vector_load %arg8[%get3A_202, %get3A_203] {strides = array<i32>} : memref<200x64xf32, #tpu.memory_space<vmem>>, vector<1x16xf32>,
        %get3A_205 = vector.shape_cast %get3A_204 : vector<1x16xf32> to vector<16xf32>
        %add3A_206 = arith.constant 1 : i32
        %add3A_207 = arith.addi %mul3A_136, %add3A_206 : i32
        %swap3A_208 = arith.index_cast %add3A_207 : i32 to index
        %swap3A_209 = arith.constant 16 : index
        %swap3A_210 = tpu.vector_load %arg7[%swap3A_208, %swap3A_209] {strides = array<i32>} : memref<200x128xf32, #tpu.memory_space<vmem>>, vector<1x16xf32>,
        %swap3A_211 = vector.shape_cast %swap3A_210 : vector<1x16xf32> to vector<16xf32>
        %swap3A_212 = vector.shape_cast %get3A_205 : vector<16xf32> to vector<1x16xf32>
        tpu.vector_store %arg7[%swap3A_208, %swap3A_209], %swap3A_212 {strides = array<i32>} : memref<200x128xf32, #tpu.memory_space<vmem>>, vector<1x16xf32>,
        %add3A_213 = arith.constant 1 : i32
        %add3A_214 = arith.addi %mul3A_136, %add3A_213 : i32
        %get3A_215 = arith.index_cast %add3A_214 : i32 to index
        %get3A_216 = arith.constant 32 : index
        %get3A_217 = tpu.vector_load %arg8[%get3A_215, %get3A_216] {strides = array<i32>} : memref<200x64xf32, #tpu.memory_space<vmem>>, vector<1x16xf32>,
        %get3A_218 = vector.shape_cast %get3A_217 : vector<1x16xf32> to vector<16xf32>
        %add3A_219 = arith.constant 1 : i32
        %add3A_220 = arith.addi %mul3A_136, %add3A_219 : i32
        %swap3A_221 = arith.index_cast %add3A_220 : i32 to index
        %swap3A_222 = arith.constant 32 : index
        %swap3A_223 = tpu.vector_load %arg7[%swap3A_221, %swap3A_222] {strides = array<i32>} : memref<200x128xf32, #tpu.memory_space<vmem>>, vector<1x16xf32>,
        %swap3A_224 = vector.shape_cast %swap3A_223 : vector<1x16xf32> to vector<16xf32>
        %swap3A_225 = vector.shape_cast %get3A_218 : vector<16xf32> to vector<1x16xf32>
        tpu.vector_store %arg7[%swap3A_221, %swap3A_222], %swap3A_225 {strides = array<i32>} : memref<200x128xf32, #tpu.memory_space<vmem>>, vector<1x16xf32>,
        %add3A_226 = arith.constant 1 : i32
        %add3A_227 = arith.addi %mul3A_136, %add3A_226 : i32
        %get3A_228 = arith.index_cast %add3A_227 : i32 to index
        %get3A_229 = arith.constant 48 : index
        %get3A_230 = tpu.vector_load %arg8[%get3A_228, %get3A_229] {strides = array<i32>} : memref<200x64xf32, #tpu.memory_space<vmem>>, vector<1x16xf32>,
        %get3A_231 = vector.shape_cast %get3A_230 : vector<1x16xf32> to vector<16xf32>
        %add3A_232 = arith.constant 1 : i32
        %add3A_233 = arith.addi %mul3A_136, %add3A_232 : i32
        %swap3A_234 = arith.index_cast %add3A_233 : i32 to index
        %swap3A_235 = arith.constant 48 : index
        %swap3A_236 = tpu.vector_load %arg7[%swap3A_234, %swap3A_235] {strides = array<i32>} : memref<200x128xf32, #tpu.memory_space<vmem>>, vector<1x16xf32>,
        %swap3A_237 = vector.shape_cast %swap3A_236 : vector<1x16xf32> to vector<16xf32>
        %swap3A_238 = vector.shape_cast %get3A_231 : vector<16xf32> to vector<1x16xf32>
        tpu.vector_store %arg7[%swap3A_234, %swap3A_235], %swap3A_238 {strides = array<i32>} : memref<200x128xf32, #tpu.memory_space<vmem>>, vector<1x16xf32>,
        %add3A_239 = arith.constant 2 : i32
        %add3A_240 = arith.addi %mul3A_136, %add3A_239 : i32
        %get3A_241 = arith.index_cast %add3A_240 : i32 to index
        %get3A_242 = arith.constant 0 : index
        %get3A_243 = tpu.vector_load %arg8[%get3A_241, %get3A_242] {strides = array<i32>} : memref<200x64xf32, #tpu.memory_space<vmem>>, vector<1x16xf32>,
        %get3A_244 = vector.shape_cast %get3A_243 : vector<1x16xf32> to vector<16xf32>
        %add3A_245 = arith.constant 2 : i32
        %add3A_246 = arith.addi %mul3A_136, %add3A_245 : i32
        %swap3A_247 = arith.index_cast %add3A_246 : i32 to index
        %swap3A_248 = arith.constant 0 : index
        %swap3A_249 = tpu.vector_load %arg7[%swap3A_247, %swap3A_248] {strides = array<i32>} : memref<200x128xf32, #tpu.memory_space<vmem>>, vector<1x16xf32>,
        %swap3A_250 = vector.shape_cast %swap3A_249 : vector<1x16xf32> to vector<16xf32>
        %swap3A_251 = vector.shape_cast %get3A_244 : vector<16xf32> to vector<1x16xf32>
        tpu.vector_store %arg7[%swap3A_247, %swap3A_248], %swap3A_251 {strides = array<i32>} : memref<200x128xf32, #tpu.memory_space<vmem>>, vector<1x16xf32>,
        %add3A_252 = arith.constant 2 : i32
        %add3A_253 = arith.addi %mul3A_136, %add3A_252 : i32
        %get3A_254 = arith.index_cast %add3A_253 : i32 to index
        %get3A_255 = arith.constant 16 : index
        %get3A_256 = tpu.vector_load %arg8[%get3A_254, %get3A_255] {strides = array<i32>} : memref<200x64xf32, #tpu.memory_space<vmem>>, vector<1x16xf32>,
        %get3A_257 = vector.shape_cast %get3A_256 : vector<1x16xf32> to vector<16xf32>
        %add3A_258 = arith.constant 2 : i32
        %add3A_259 = arith.addi %mul3A_136, %add3A_258 : i32
        %swap3A_260 = arith.index_cast %add3A_259 : i32 to index
        %swap3A_261 = arith.constant 16 : index
        %swap3A_262 = tpu.vector_load %arg7[%swap3A_260, %swap3A_261] {strides = array<i32>} : memref<200x128xf32, #tpu.memory_space<vmem>>, vector<1x16xf32>,
        %swap3A_263 = vector.shape_cast %swap3A_262 : vector<1x16xf32> to vector<16xf32>
        %swap3A_264 = vector.shape_cast %get3A_257 : vector<16xf32> to vector<1x16xf32>
        tpu.vector_store %arg7[%swap3A_260, %swap3A_261], %swap3A_264 {strides = array<i32>} : memref<200x128xf32, #tpu.memory_space<vmem>>, vector<1x16xf32>,
        %add3A_265 = arith.constant 2 : i32
        %add3A_266 = arith.addi %mul3A_136, %add3A_265 : i32
        %get3A_267 = arith.index_cast %add3A_266 : i32 to index
        %get3A_268 = arith.constant 32 : index
        %get3A_269 = tpu.vector_load %arg8[%get3A_267, %get3A_268] {strides = array<i32>} : memref<200x64xf32, #tpu.memory_space<vmem>>, vector<1x16xf32>,
        %get3A_270 = vector.shape_cast %get3A_269 : vector<1x16xf32> to vector<16xf32>
        %add3A_271 = arith.constant 2 : i32
        %add3A_272 = arith.addi %mul3A_136, %add3A_271 : i32
        %swap3A_273 = arith.index_cast %add3A_272 : i32 to index
        %swap3A_274 = arith.constant 32 : index
        %swap3A_275 = tpu.vector_load %arg7[%swap3A_273, %swap3A_274] {strides = array<i32>} : memref<200x128xf32, #tpu.memory_space<vmem>>, vector<1x16xf32>,
        %swap3A_276 = vector.shape_cast %swap3A_275 : vector<1x16xf32> to vector<16xf32>
        %swap3A_277 = vector.shape_cast %get3A_270 : vector<16xf32> to vector<1x16xf32>
        tpu.vector_store %arg7[%swap3A_273, %swap3A_274], %swap3A_277 {strides = array<i32>} : memref<200x128xf32, #tpu.memory_space<vmem>>, vector<1x16xf32>,
        %add3A_278 = arith.constant 2 : i32
        %add3A_279 = arith.addi %mul3A_136, %add3A_278 : i32
        %get3A_280 = arith.index_cast %add3A_279 : i32 to index
        %get3A_281 = arith.constant 48 : index
        %get3A_282 = tpu.vector_load %arg8[%get3A_280, %get3A_281] {strides = array<i32>} : memref<200x64xf32, #tpu.memory_space<vmem>>, vector<1x16xf32>,
        %get3A_283 = vector.shape_cast %get3A_282 : vector<1x16xf32> to vector<16xf32>
        %add3A_284 = arith.constant 2 : i32
        %add3A_285 = arith.addi %mul3A_136, %add3A_284 : i32
        %swap3A_286 = arith.index_cast %add3A_285 : i32 to index
        %swap3A_287 = arith.constant 48 : index
        %swap3A_288 = tpu.vector_load %arg7[%swap3A_286, %swap3A_287] {strides = array<i32>} : memref<200x128xf32, #tpu.memory_space<vmem>>, vector<1x16xf32>,
        %swap3A_289 = vector.shape_cast %swap3A_288 : vector<1x16xf32> to vector<16xf32>
        %swap3A_290 = vector.shape_cast %get3A_283 : vector<16xf32> to vector<1x16xf32>
        tpu.vector_store %arg7[%swap3A_286, %swap3A_287], %swap3A_290 {strides = array<i32>} : memref<200x128xf32, #tpu.memory_space<vmem>>, vector<1x16xf32>,
        %add3A_291 = arith.constant 3 : i32
        %add3A_292 = arith.addi %mul3A_136, %add3A_291 : i32
        %get3A_293 = arith.index_cast %add3A_292 : i32 to index
        %get3A_294 = arith.constant 0 : index
        %get3A_295 = tpu.vector_load %arg8[%get3A_293, %get3A_294] {strides = array<i32>} : memref<200x64xf32, #tpu.memory_space<vmem>>, vector<1x16xf32>,
        %get3A_296 = vector.shape_cast %get3A_295 : vector<1x16xf32> to vector<16xf32>
        %add3A_297 = arith.constant 3 : i32
        %add3A_298 = arith.addi %mul3A_136, %add3A_297 : i32
        %swap3A_299 = arith.index_cast %add3A_298 : i32 to index
        %swap3A_300 = arith.constant 0 : index
        %swap3A_301 = tpu.vector_load %arg7[%swap3A_299, %swap3A_300] {strides = array<i32>} : memref<200x128xf32, #tpu.memory_space<vmem>>, vector<1x16xf32>,
        %swap3A_302 = vector.shape_cast %swap3A_301 : vector<1x16xf32> to vector<16xf32>
        %swap3A_303 = vector.shape_cast %get3A_296 : vector<16xf32> to vector<1x16xf32>
        tpu.vector_store %arg7[%swap3A_299, %swap3A_300], %swap3A_303 {strides = array<i32>} : memref<200x128xf32, #tpu.memory_space<vmem>>, vector<1x16xf32>,
        %add3A_304 = arith.constant 3 : i32
        %add3A_305 = arith.addi %mul3A_136, %add3A_304 : i32
        %get3A_306 = arith.index_cast %add3A_305 : i32 to index
        %get3A_307 = arith.constant 16 : index
        %get3A_308 = tpu.vector_load %arg8[%get3A_306, %get3A_307] {strides = array<i32>} : memref<200x64xf32, #tpu.memory_space<vmem>>, vector<1x16xf32>,
        %get3A_309 = vector.shape_cast %get3A_308 : vector<1x16xf32> to vector<16xf32>
        %add3A_310 = arith.constant 3 : i32
        %add3A_311 = arith.addi %mul3A_136, %add3A_310 : i32
        %swap3A_312 = arith.index_cast %add3A_311 : i32 to index
        %swap3A_313 = arith.constant 16 : index
        %swap3A_314 = tpu.vector_load %arg7[%swap3A_312, %swap3A_313] {strides = array<i32>} : memref<200x128xf32, #tpu.memory_space<vmem>>, vector<1x16xf32>,
        %swap3A_315 = vector.shape_cast %swap3A_314 : vector<1x16xf32> to vector<16xf32>
        %swap3A_316 = vector.shape_cast %get3A_309 : vector<16xf32> to vector<1x16xf32>
        tpu.vector_store %arg7[%swap3A_312, %swap3A_313], %swap3A_316 {strides = array<i32>} : memref<200x128xf32, #tpu.memory_space<vmem>>, vector<1x16xf32>,
        %add3A_317 = arith.constant 3 : i32
        %add3A_318 = arith.addi %mul3A_136, %add3A_317 : i32
        %get3A_319 = arith.index_cast %add3A_318 : i32 to index
        %get3A_320 = arith.constant 32 : index
        %get3A_321 = tpu.vector_load %arg8[%get3A_319, %get3A_320] {strides = array<i32>} : memref<200x64xf32, #tpu.memory_space<vmem>>, vector<1x16xf32>,
        %get3A_322 = vector.shape_cast %get3A_321 : vector<1x16xf32> to vector<16xf32>
        %add3A_323 = arith.constant 3 : i32
        %add3A_324 = arith.addi %mul3A_136, %add3A_323 : i32
        %swap3A_325 = arith.index_cast %add3A_324 : i32 to index
        %swap3A_326 = arith.constant 32 : index
        %swap3A_327 = tpu.vector_load %arg7[%swap3A_325, %swap3A_326] {strides = array<i32>} : memref<200x128xf32, #tpu.memory_space<vmem>>, vector<1x16xf32>,
        %swap3A_328 = vector.shape_cast %swap3A_327 : vector<1x16xf32> to vector<16xf32>
        %swap3A_329 = vector.shape_cast %get3A_322 : vector<16xf32> to vector<1x16xf32>
        tpu.vector_store %arg7[%swap3A_325, %swap3A_326], %swap3A_329 {strides = array<i32>} : memref<200x128xf32, #tpu.memory_space<vmem>>, vector<1x16xf32>,
        %add3A_330 = arith.constant 3 : i32
        %add3A_331 = arith.addi %mul3A_136, %add3A_330 : i32
        %get3A_332 = arith.index_cast %add3A_331 : i32 to index
        %get3A_333 = arith.constant 48 : index
        %get3A_334 = tpu.vector_load %arg8[%get3A_332, %get3A_333] {strides = array<i32>} : memref<200x64xf32, #tpu.memory_space<vmem>>, vector<1x16xf32>,
        %get3A_335 = vector.shape_cast %get3A_334 : vector<1x16xf32> to vector<16xf32>
        %add3A_336 = arith.constant 3 : i32
        %add3A_337 = arith.addi %mul3A_136, %add3A_336 : i32
        %swap3A_338 = arith.index_cast %add3A_337 : i32 to index
        %swap3A_339 = arith.constant 48 : index
        %swap3A_340 = tpu.vector_load %arg7[%swap3A_338, %swap3A_339] {strides = array<i32>} : memref<200x128xf32, #tpu.memory_space<vmem>>, vector<1x16xf32>,
        %swap3A_341 = vector.shape_cast %swap3A_340 : vector<1x16xf32> to vector<16xf32>
        %swap3A_342 = vector.shape_cast %get3A_335 : vector<16xf32> to vector<1x16xf32>
        tpu.vector_store %arg7[%swap3A_338, %swap3A_339], %swap3A_342 {strides = array<i32>} : memref<200x128xf32, #tpu.memory_space<vmem>>, vector<1x16xf32>,
        %add3A_343 = arith.constant 4 : i32
        %add3A_344 = arith.addi %mul3A_136, %add3A_343 : i32
        %get3A_345 = arith.index_cast %add3A_344 : i32 to index
        %get3A_346 = arith.constant 0 : index
        %get3A_347 = tpu.vector_load %arg8[%get3A_345, %get3A_346] {strides = array<i32>} : memref<200x64xf32, #tpu.memory_space<vmem>>, vector<1x16xf32>,
        %get3A_348 = vector.shape_cast %get3A_347 : vector<1x16xf32> to vector<16xf32>
        %add3A_349 = arith.constant 4 : i32
        %add3A_350 = arith.addi %mul3A_136, %add3A_349 : i32
        %swap3A_351 = arith.index_cast %add3A_350 : i32 to index
        %swap3A_352 = arith.constant 0 : index
        %swap3A_353 = tpu.vector_load %arg7[%swap3A_351, %swap3A_352] {strides = array<i32>} : memref<200x128xf32, #tpu.memory_space<vmem>>, vector<1x16xf32>,
        %swap3A_354 = vector.shape_cast %swap3A_353 : vector<1x16xf32> to vector<16xf32>
        %swap3A_355 = vector.shape_cast %get3A_348 : vector<16xf32> to vector<1x16xf32>
        tpu.vector_store %arg7[%swap3A_351, %swap3A_352], %swap3A_355 {strides = array<i32>} : memref<200x128xf32, #tpu.memory_space<vmem>>, vector<1x16xf32>,
        %add3A_356 = arith.constant 4 : i32
        %add3A_357 = arith.addi %mul3A_136, %add3A_356 : i32
        %get3A_358 = arith.index_cast %add3A_357 : i32 to index
        %get3A_359 = arith.constant 16 : index
        %get3A_360 = tpu.vector_load %arg8[%get3A_358, %get3A_359] {strides = array<i32>} : memref<200x64xf32, #tpu.memory_space<vmem>>, vector<1x16xf32>,
        %get3A_361 = vector.shape_cast %get3A_360 : vector<1x16xf32> to vector<16xf32>
        %add3A_362 = arith.constant 4 : i32
        %add3A_363 = arith.addi %mul3A_136, %add3A_362 : i32
        %swap3A_364 = arith.index_cast %add3A_363 : i32 to index
        %swap3A_365 = arith.constant 16 : index
        %swap3A_366 = tpu.vector_load %arg7[%swap3A_364, %swap3A_365] {strides = array<i32>} : memref<200x128xf32, #tpu.memory_space<vmem>>, vector<1x16xf32>,
        %swap3A_367 = vector.shape_cast %swap3A_366 : vector<1x16xf32> to vector<16xf32>
        %swap3A_368 = vector.shape_cast %get3A_361 : vector<16xf32> to vector<1x16xf32>
        tpu.vector_store %arg7[%swap3A_364, %swap3A_365], %swap3A_368 {strides = array<i32>} : memref<200x128xf32, #tpu.memory_space<vmem>>, vector<1x16xf32>,
        %add3A_369 = arith.constant 4 : i32
        %add3A_370 = arith.addi %mul3A_136, %add3A_369 : i32
        %get3A_371 = arith.index_cast %add3A_370 : i32 to index
        %get3A_372 = arith.constant 32 : index
        %get3A_373 = tpu.vector_load %arg8[%get3A_371, %get3A_372] {strides = array<i32>} : memref<200x64xf32, #tpu.memory_space<vmem>>, vector<1x16xf32>,
        %get3A_374 = vector.shape_cast %get3A_373 : vector<1x16xf32> to vector<16xf32>
        %add3A_375 = arith.constant 4 : i32
        %add3A_376 = arith.addi %mul3A_136, %add3A_375 : i32
        %swap3A_377 = arith.index_cast %add3A_376 : i32 to index
        %swap3A_378 = arith.constant 32 : index
        %swap3A_379 = tpu.vector_load %arg7[%swap3A_377, %swap3A_378] {strides = array<i32>} : memref<200x128xf32, #tpu.memory_space<vmem>>, vector<1x16xf32>,
        %swap3A_380 = vector.shape_cast %swap3A_379 : vector<1x16xf32> to vector<16xf32>
        %swap3A_381 = vector.shape_cast %get3A_374 : vector<16xf32> to vector<1x16xf32>
        tpu.vector_store %arg7[%swap3A_377, %swap3A_378], %swap3A_381 {strides = array<i32>} : memref<200x128xf32, #tpu.memory_space<vmem>>, vector<1x16xf32>,
        %add3A_382 = arith.constant 4 : i32
        %add3A_383 = arith.addi %mul3A_136, %add3A_382 : i32
        %get3A_384 = arith.index_cast %add3A_383 : i32 to index
        %get3A_385 = arith.constant 48 : index
        %get3A_386 = tpu.vector_load %arg8[%get3A_384, %get3A_385] {strides = array<i32>} : memref<200x64xf32, #tpu.memory_space<vmem>>, vector<1x16xf32>,
        %get3A_387 = vector.shape_cast %get3A_386 : vector<1x16xf32> to vector<16xf32>
        %add3A_388 = arith.constant 4 : i32
        %add3A_389 = arith.addi %mul3A_136, %add3A_388 : i32
        %swap3A_390 = arith.index_cast %add3A_389 : i32 to index
        %swap3A_391 = arith.constant 48 : index
        %swap3A_392 = tpu.vector_load %arg7[%swap3A_390, %swap3A_391] {strides = array<i32>} : memref<200x128xf32, #tpu.memory_space<vmem>>, vector<1x16xf32>,
        %swap3A_393 = vector.shape_cast %swap3A_392 : vector<1x16xf32> to vector<16xf32>
        %swap3A_394 = vector.shape_cast %get3A_387 : vector<16xf32> to vector<1x16xf32>
        tpu.vector_store %arg7[%swap3A_390, %swap3A_391], %swap3A_394 {strides = array<i32>} : memref<200x128xf32, #tpu.memory_space<vmem>>, vector<1x16xf32>,
        %add3A_395 = arith.constant 5 : i32
        %add3A_396 = arith.addi %mul3A_136, %add3A_395 : i32
        %get3A_397 = arith.index_cast %add3A_396 : i32 to index
        %get3A_398 = arith.constant 0 : index
        %get3A_399 = tpu.vector_load %arg8[%get3A_397, %get3A_398] {strides = array<i32>} : memref<200x64xf32, #tpu.memory_space<vmem>>, vector<1x16xf32>,
        %get3A_400 = vector.shape_cast %get3A_399 : vector<1x16xf32> to vector<16xf32>
        %add3A_401 = arith.constant 5 : i32
        %add3A_402 = arith.addi %mul3A_136, %add3A_401 : i32
        %swap3A_403 = arith.index_cast %add3A_402 : i32 to index
        %swap3A_404 = arith.constant 0 : index
        %swap3A_405 = tpu.vector_load %arg7[%swap3A_403, %swap3A_404] {strides = array<i32>} : memref<200x128xf32, #tpu.memory_space<vmem>>, vector<1x16xf32>,
        %swap3A_406 = vector.shape_cast %swap3A_405 : vector<1x16xf32> to vector<16xf32>
        %swap3A_407 = vector.shape_cast %get3A_400 : vector<16xf32> to vector<1x16xf32>
        tpu.vector_store %arg7[%swap3A_403, %swap3A_404], %swap3A_407 {strides = array<i32>} : memref<200x128xf32, #tpu.memory_space<vmem>>, vector<1x16xf32>,
        %add3A_408 = arith.constant 5 : i32
        %add3A_409 = arith.addi %mul3A_136, %add3A_408 : i32
        %get3A_410 = arith.index_cast %add3A_409 : i32 to index
        %get3A_411 = arith.constant 16 : index
        %get3A_412 = tpu.vector_load %arg8[%get3A_410, %get3A_411] {strides = array<i32>} : memref<200x64xf32, #tpu.memory_space<vmem>>, vector<1x16xf32>,
        %get3A_413 = vector.shape_cast %get3A_412 : vector<1x16xf32> to vector<16xf32>
        %add3A_414 = arith.constant 5 : i32
        %add3A_415 = arith.addi %mul3A_136, %add3A_414 : i32
        %swap3A_416 = arith.index_cast %add3A_415 : i32 to index
        %swap3A_417 = arith.constant 16 : index
        %swap3A_418 = tpu.vector_load %arg7[%swap3A_416, %swap3A_417] {strides = array<i32>} : memref<200x128xf32, #tpu.memory_space<vmem>>, vector<1x16xf32>,
        %swap3A_419 = vector.shape_cast %swap3A_418 : vector<1x16xf32> to vector<16xf32>
        %swap3A_420 = vector.shape_cast %get3A_413 : vector<16xf32> to vector<1x16xf32>
        tpu.vector_store %arg7[%swap3A_416, %swap3A_417], %swap3A_420 {strides = array<i32>} : memref<200x128xf32, #tpu.memory_space<vmem>>, vector<1x16xf32>,
        %add3A_421 = arith.constant 5 : i32
        %add3A_422 = arith.addi %mul3A_136, %add3A_421 : i32
        %get3A_423 = arith.index_cast %add3A_422 : i32 to index
        %get3A_424 = arith.constant 32 : index
        %get3A_425 = tpu.vector_load %arg8[%get3A_423, %get3A_424] {strides = array<i32>} : memref<200x64xf32, #tpu.memory_space<vmem>>, vector<1x16xf32>,
        %get3A_426 = vector.shape_cast %get3A_425 : vector<1x16xf32> to vector<16xf32>
        %add3A_427 = arith.constant 5 : i32
        %add3A_428 = arith.addi %mul3A_136, %add3A_427 : i32
        %swap3A_429 = arith.index_cast %add3A_428 : i32 to index
        %swap3A_430 = arith.constant 32 : index
        %swap3A_431 = tpu.vector_load %arg7[%swap3A_429, %swap3A_430] {strides = array<i32>} : memref<200x128xf32, #tpu.memory_space<vmem>>, vector<1x16xf32>,
        %swap3A_432 = vector.shape_cast %swap3A_431 : vector<1x16xf32> to vector<16xf32>
        %swap3A_433 = vector.shape_cast %get3A_426 : vector<16xf32> to vector<1x16xf32>
        tpu.vector_store %arg7[%swap3A_429, %swap3A_430], %swap3A_433 {strides = array<i32>} : memref<200x128xf32, #tpu.memory_space<vmem>>, vector<1x16xf32>,
        %add3A_434 = arith.constant 5 : i32
        %add3A_435 = arith.addi %mul3A_136, %add3A_434 : i32
        %get3A_436 = arith.index_cast %add3A_435 : i32 to index
        %get3A_437 = arith.constant 48 : index
        %get3A_438 = tpu.vector_load %arg8[%get3A_436, %get3A_437] {strides = array<i32>} : memref<200x64xf32, #tpu.memory_space<vmem>>, vector<1x16xf32>,
        %get3A_439 = vector.shape_cast %get3A_438 : vector<1x16xf32> to vector<16xf32>
        %add3A_440 = arith.constant 5 : i32
        %add3A_441 = arith.addi %mul3A_136, %add3A_440 : i32
        %swap3A_442 = arith.index_cast %add3A_441 : i32 to index
        %swap3A_443 = arith.constant 48 : index
        %swap3A_444 = tpu.vector_load %arg7[%swap3A_442, %swap3A_443] {strides = array<i32>} : memref<200x128xf32, #tpu.memory_space<vmem>>, vector<1x16xf32>,
        %swap3A_445 = vector.shape_cast %swap3A_444 : vector<1x16xf32> to vector<16xf32>
        %swap3A_446 = vector.shape_cast %get3A_439 : vector<16xf32> to vector<1x16xf32>
        tpu.vector_store %arg7[%swap3A_442, %swap3A_443], %swap3A_446 {strides = array<i32>} : memref<200x128xf32, #tpu.memory_space<vmem>>, vector<1x16xf32>,
        %add3A_447 = arith.constant 6 : i32
        %add3A_448 = arith.addi %mul3A_136, %add3A_447 : i32
        %get3A_449 = arith.index_cast %add3A_448 : i32 to index
        %get3A_450 = arith.constant 0 : index
        %get3A_451 = tpu.vector_load %arg8[%get3A_449, %get3A_450] {strides = array<i32>} : memref<200x64xf32, #tpu.memory_space<vmem>>, vector<1x16xf32>,
        %get3A_452 = vector.shape_cast %get3A_451 : vector<1x16xf32> to vector<16xf32>
        %add3A_453 = arith.constant 6 : i32
        %add3A_454 = arith.addi %mul3A_136, %add3A_453 : i32
        %swap3A_455 = arith.index_cast %add3A_454 : i32 to index
        %swap3A_456 = arith.constant 0 : index
        %swap3A_457 = tpu.vector_load %arg7[%swap3A_455, %swap3A_456] {strides = array<i32>} : memref<200x128xf32, #tpu.memory_space<vmem>>, vector<1x16xf32>,
        %swap3A_458 = vector.shape_cast %swap3A_457 : vector<1x16xf32> to vector<16xf32>
        %swap3A_459 = vector.shape_cast %get3A_452 : vector<16xf32> to vector<1x16xf32>
        tpu.vector_store %arg7[%swap3A_455, %swap3A_456], %swap3A_459 {strides = array<i32>} : memref<200x128xf32, #tpu.memory_space<vmem>>, vector<1x16xf32>,
        %add3A_460 = arith.constant 6 : i32
        %add3A_461 = arith.addi %mul3A_136, %add3A_460 : i32
        %get3A_462 = arith.index_cast %add3A_461 : i32 to index
        %get3A_463 = arith.constant 16 : index
        %get3A_464 = tpu.vector_load %arg8[%get3A_462, %get3A_463] {strides = array<i32>} : memref<200x64xf32, #tpu.memory_space<vmem>>, vector<1x16xf32>,
        %get3A_465 = vector.shape_cast %get3A_464 : vector<1x16xf32> to vector<16xf32>
        %add3A_466 = arith.constant 6 : i32
        %add3A_467 = arith.addi %mul3A_136, %add3A_466 : i32
        %swap3A_468 = arith.index_cast %add3A_467 : i32 to index
        %swap3A_469 = arith.constant 16 : index
        %swap3A_470 = tpu.vector_load %arg7[%swap3A_468, %swap3A_469] {strides = array<i32>} : memref<200x128xf32, #tpu.memory_space<vmem>>, vector<1x16xf32>,
        %swap3A_471 = vector.shape_cast %swap3A_470 : vector<1x16xf32> to vector<16xf32>
        %swap3A_472 = vector.shape_cast %get3A_465 : vector<16xf32> to vector<1x16xf32>
        tpu.vector_store %arg7[%swap3A_468, %swap3A_469], %swap3A_472 {strides = array<i32>} : memref<200x128xf32, #tpu.memory_space<vmem>>, vector<1x16xf32>,
        %add3A_473 = arith.constant 6 : i32
        %add3A_474 = arith.addi %mul3A_136, %add3A_473 : i32
        %get3A_475 = arith.index_cast %add3A_474 : i32 to index
        %get3A_476 = arith.constant 32 : index
        %get3A_477 = tpu.vector_load %arg8[%get3A_475, %get3A_476] {strides = array<i32>} : memref<200x64xf32, #tpu.memory_space<vmem>>, vector<1x16xf32>,
        %get3A_478 = vector.shape_cast %get3A_477 : vector<1x16xf32> to vector<16xf32>
        %add3A_479 = arith.constant 6 : i32
        %add3A_480 = arith.addi %mul3A_136, %add3A_479 : i32
        %swap3A_481 = arith.index_cast %add3A_480 : i32 to index
        %swap3A_482 = arith.constant 32 : index
        %swap3A_483 = tpu.vector_load %arg7[%swap3A_481, %swap3A_482] {strides = array<i32>} : memref<200x128xf32, #tpu.memory_space<vmem>>, vector<1x16xf32>,
        %swap3A_484 = vector.shape_cast %swap3A_483 : vector<1x16xf32> to vector<16xf32>
        %swap3A_485 = vector.shape_cast %get3A_478 : vector<16xf32> to vector<1x16xf32>
        tpu.vector_store %arg7[%swap3A_481, %swap3A_482], %swap3A_485 {strides = array<i32>} : memref<200x128xf32, #tpu.memory_space<vmem>>, vector<1x16xf32>,
        %add3A_486 = arith.constant 6 : i32
        %add3A_487 = arith.addi %mul3A_136, %add3A_486 : i32
        %get3A_488 = arith.index_cast %add3A_487 : i32 to index
        %get3A_489 = arith.constant 48 : index
        %get3A_490 = tpu.vector_load %arg8[%get3A_488, %get3A_489] {strides = array<i32>} : memref<200x64xf32, #tpu.memory_space<vmem>>, vector<1x16xf32>,
        %get3A_491 = vector.shape_cast %get3A_490 : vector<1x16xf32> to vector<16xf32>
        %add3A_492 = arith.constant 6 : i32
        %add3A_493 = arith.addi %mul3A_136, %add3A_492 : i32
        %swap3A_494 = arith.index_cast %add3A_493 : i32 to index
        %swap3A_495 = arith.constant 48 : index
        %swap3A_496 = tpu.vector_load %arg7[%swap3A_494, %swap3A_495] {strides = array<i32>} : memref<200x128xf32, #tpu.memory_space<vmem>>, vector<1x16xf32>,
        %swap3A_497 = vector.shape_cast %swap3A_496 : vector<1x16xf32> to vector<16xf32>
        %swap3A_498 = vector.shape_cast %get3A_491 : vector<16xf32> to vector<1x16xf32>
        tpu.vector_store %arg7[%swap3A_494, %swap3A_495], %swap3A_498 {strides = array<i32>} : memref<200x128xf32, #tpu.memory_space<vmem>>, vector<1x16xf32>,
        %add3A_499 = arith.constant 7 : i32
        %add3A_500 = arith.addi %mul3A_136, %add3A_499 : i32
        %get3A_501 = arith.index_cast %add3A_500 : i32 to index
        %get3A_502 = arith.constant 0 : index
        %get3A_503 = tpu.vector_load %arg8[%get3A_501, %get3A_502] {strides = array<i32>} : memref<200x64xf32, #tpu.memory_space<vmem>>, vector<1x16xf32>,
        %get3A_504 = vector.shape_cast %get3A_503 : vector<1x16xf32> to vector<16xf32>
        %add3A_505 = arith.constant 7 : i32
        %add3A_506 = arith.addi %mul3A_136, %add3A_505 : i32
        %swap3A_507 = arith.index_cast %add3A_506 : i32 to index
        %swap3A_508 = arith.constant 0 : index
        %swap3A_509 = tpu.vector_load %arg7[%swap3A_507, %swap3A_508] {strides = array<i32>} : memref<200x128xf32, #tpu.memory_space<vmem>>, vector<1x16xf32>,
        %swap3A_510 = vector.shape_cast %swap3A_509 : vector<1x16xf32> to vector<16xf32>
        %swap3A_511 = vector.shape_cast %get3A_504 : vector<16xf32> to vector<1x16xf32>
        tpu.vector_store %arg7[%swap3A_507, %swap3A_508], %swap3A_511 {strides = array<i32>} : memref<200x128xf32, #tpu.memory_space<vmem>>, vector<1x16xf32>,
        %add3A_512 = arith.constant 7 : i32
        %add3A_513 = arith.addi %mul3A_136, %add3A_512 : i32
        %get3A_514 = arith.index_cast %add3A_513 : i32 to index
        %get3A_515 = arith.constant 16 : index
        %get3A_516 = tpu.vector_load %arg8[%get3A_514, %get3A_515] {strides = array<i32>} : memref<200x64xf32, #tpu.memory_space<vmem>>, vector<1x16xf32>,
        %get3A_517 = vector.shape_cast %get3A_516 : vector<1x16xf32> to vector<16xf32>
        %add3A_518 = arith.constant 7 : i32
        %add3A_519 = arith.addi %mul3A_136, %add3A_518 : i32
        %swap3A_520 = arith.index_cast %add3A_519 : i32 to index
        %swap3A_521 = arith.constant 16 : index
        %swap3A_522 = tpu.vector_load %arg7[%swap3A_520, %swap3A_521] {strides = array<i32>} : memref<200x128xf32, #tpu.memory_space<vmem>>, vector<1x16xf32>,
        %swap3A_523 = vector.shape_cast %swap3A_522 : vector<1x16xf32> to vector<16xf32>
        %swap3A_524 = vector.shape_cast %get3A_517 : vector<16xf32> to vector<1x16xf32>
        tpu.vector_store %arg7[%swap3A_520, %swap3A_521], %swap3A_524 {strides = array<i32>} : memref<200x128xf32, #tpu.memory_space<vmem>>, vector<1x16xf32>,
        %add3A_525 = arith.constant 7 : i32
        %add3A_526 = arith.addi %mul3A_136, %add3A_525 : i32
        %get3A_527 = arith.index_cast %add3A_526 : i32 to index
        %get3A_528 = arith.constant 32 : index
        %get3A_529 = tpu.vector_load %arg8[%get3A_527, %get3A_528] {strides = array<i32>} : memref<200x64xf32, #tpu.memory_space<vmem>>, vector<1x16xf32>,
        %get3A_530 = vector.shape_cast %get3A_529 : vector<1x16xf32> to vector<16xf32>
        %add3A_531 = arith.constant 7 : i32
        %add3A_532 = arith.addi %mul3A_136, %add3A_531 : i32
        %swap3A_533 = arith.index_cast %add3A_532 : i32 to index
        %swap3A_534 = arith.constant 32 : index
        %swap3A_535 = tpu.vector_load %arg7[%swap3A_533, %swap3A_534] {strides = array<i32>} : memref<200x128xf32, #tpu.memory_space<vmem>>, vector<1x16xf32>,
        %swap3A_536 = vector.shape_cast %swap3A_535 : vector<1x16xf32> to vector<16xf32>
        %swap3A_537 = vector.shape_cast %get3A_530 : vector<16xf32> to vector<1x16xf32>
        tpu.vector_store %arg7[%swap3A_533, %swap3A_534], %swap3A_537 {strides = array<i32>} : memref<200x128xf32, #tpu.memory_space<vmem>>, vector<1x16xf32>,
        %add3A_538 = arith.constant 7 : i32
        %add3A_539 = arith.addi %mul3A_136, %add3A_538 : i32
        %get3A_540 = arith.index_cast %add3A_539 : i32 to index
        %get3A_541 = arith.constant 48 : index
        %get3A_542 = tpu.vector_load %arg8[%get3A_540, %get3A_541] {strides = array<i32>} : memref<200x64xf32, #tpu.memory_space<vmem>>, vector<1x16xf32>,
        %get3A_543 = vector.shape_cast %get3A_542 : vector<1x16xf32> to vector<16xf32>
        %add3A_544 = arith.constant 7 : i32
        %add3A_545 = arith.addi %mul3A_136, %add3A_544 : i32
        %swap3A_546 = arith.index_cast %add3A_545 : i32 to index
        %swap3A_547 = arith.constant 48 : index
        %swap3A_548 = tpu.vector_load %arg7[%swap3A_546, %swap3A_547] {strides = array<i32>} : memref<200x128xf32, #tpu.memory_space<vmem>>, vector<1x16xf32>,
        %swap3A_549 = vector.shape_cast %swap3A_548 : vector<1x16xf32> to vector<16xf32>
        %swap3A_550 = vector.shape_cast %get3A_543 : vector<16xf32> to vector<1x16xf32>
        tpu.vector_store %arg7[%swap3A_546, %swap3A_547], %swap3A_550 {strides = array<i32>} : memref<200x128xf32, #tpu.memory_space<vmem>>, vector<1x16xf32>,
      }
      %scan3A_100 = arith.constant 25 : i32
      %dma_start3A_101 = arith.constant 0 : i32
      %dma_start3A_102 = tpu.memref_slice %arg5[%add3A_27, %dma_start3A_101] : memref<819200x128xf32, #tpu.memory_space<hbm>> -> memref<200x128xf32, #tpu.memory_space<hbm>>
      %dma_start3A_103 = arith.constant 0 : i32
      %dma_start3A_104 = tpu.memref_slice %arg5[%add3A_27, %dma_start3A_103] : memref<819200x128xf32, #tpu.memory_space<hbm>> -> memref<200x128xf32, #tpu.memory_space<hbm>>
      tpu.enqueue_dma source(%arg7 : memref<200x128xf32, #tpu.memory_space<vmem>>) target(%dma_start3A_104 : memref<200x128xf32, #tpu.memory_space<hbm>>) target_semaphore(%arg14 : memref<!tpu.dma_semaphore, #tpu.memory_space<semaphore_mem>>)
      %dma_wait3A_105 = arith.constant 0 : i32
      %dma_wait3A_106 = arith.constant 0 : i32
      %dma_wait3A_107 = tpu.memref_slice %arg10[%dma_wait3A_105, %dma_wait3A_106] : memref<200x128xf32, #tpu.memory_space<vmem>> -> memref<128x128xf32, #tpu.memory_space<vmem>>
      %dma_wait3A_108 = arith.constant 0 : i32
      %dma_wait3A_109 = tpu.memref_slice %arg9[%dma_wait3A_108] : memref<200xi32, #tpu.memory_space<vmem>> -> memref<128xi32, #tpu.memory_space<vmem>>
      %dma_wait3A_110 = arith.constant 0 : i32
      %dma_wait3A_111 = arith.constant 0 : i32
      %dma_wait3A_112 = tpu.memref_slice %arg4[%dma_wait3A_110, %dma_wait3A_111] : memref<4096x128xf32, #tpu.memory_space<hbm>> -> memref<4096x128xf32, #tpu.memory_space<hbm>>
      tpu.wait_indirect_dma semaphore(%arg13 : memref<!tpu.dma_semaphore, #tpu.memory_space<semaphore_mem>>) src(%dma_wait3A_112 : memref<4096x128xf32, #tpu.memory_space<hbm>>) dst(%dma_wait3A_107 : memref<128x128xf32, #tpu.memory_space<vmem>>)
      %dma_wait3A_113 = arith.constant 128 : i32
      %dma_wait3A_114 = arith.constant 0 : i32
      %dma_wait3A_115 = tpu.memref_slice %arg10[%dma_wait3A_113, %dma_wait3A_114] : memref<200x128xf32, #tpu.memory_space<vmem>> -> memref<72x128xf32, #tpu.memory_space<vmem>>
      %dma_wait3A_116 = arith.constant 128 : i32
      %dma_wait3A_117 = tpu.memref_slice %arg9[%dma_wait3A_116] : memref<200xi32, #tpu.memory_space<vmem>> -> memref<72xi32, #tpu.memory_space<vmem>>
      %dma_wait3A_118 = arith.constant 0 : i32
      %dma_wait3A_119 = arith.constant 0 : i32
      %dma_wait3A_120 = tpu.memref_slice %arg4[%dma_wait3A_118, %dma_wait3A_119] : memref<4096x128xf32, #tpu.memory_space<hbm>> -> memref<4096x128xf32, #tpu.memory_space<hbm>>
      tpu.wait_indirect_dma semaphore(%arg13 : memref<!tpu.dma_semaphore, #tpu.memory_space<semaphore_mem>>) src(%dma_wait3A_120 : memref<4096x128xf32, #tpu.memory_space<hbm>>) dst(%dma_wait3A_115 : memref<72x128xf32, #tpu.memory_space<vmem>>)
      %dma_wait3A_121 = arith.constant 0 : i32
      %dma_wait3A_122 = tpu.memref_slice %arg2[%add3A_29, %dma_wait3A_121] : memref<819200x64xf32, #tpu.memory_space<hbm>> -> memref<200x64xf32, #tpu.memory_space<hbm>>
      %dma_wait3A_123 = arith.constant 0 : i32
      %dma_wait3A_124 = tpu.memref_slice %arg2[%add3A_29, %dma_wait3A_123] : memref<819200x64xf32, #tpu.memory_space<hbm>> -> memref<200x64xf32, #tpu.memory_space<hbm>>
      tpu.wait_dma2 semaphore(%arg13 : memref<!tpu.dma_semaphore, #tpu.memory_space<semaphore_mem>>) src(%dma_wait3A_124 : memref<200x64xf32, #tpu.memory_space<hbm>>) dst(%arg11 : memref<200x64xf32, #tpu.memory_space<vmem>>)
      %scan3A_125 = arith.constant 0 : i32
      %scan3A_126 = arith.constant 25 : i32
      %scan3A_127 = arith.addi %scan3A_125, %scan3A_126 : i32
      %scan3A_128 = arith.constant 1 : i32
      scf.for %scan3A_134 = %scan3A_125 to %scan3A_127 step %scan3A_128  : i32 {
        %mul3A_135 = arith.constant 8 : i32
        %mul3A_136 = arith.muli %scan3A_134, %mul3A_135 : i32
        %add3A_137 = arith.constant 0 : i32
        %add3A_138 = arith.addi %mul3A_136, %add3A_137 : i32
        %get3A = arith.index_cast %add3A_138 : i32 to index
        %get3A_139 = arith.constant 0 : index
        %get3A_140 = tpu.vector_load %arg11[%get3A, %get3A_139] {strides = array<i32>} : memref<200x64xf32, #tpu.memory_space<vmem>>, vector<1x16xf32>,
        %get3A_141 = vector.shape_cast %get3A_140 : vector<1x16xf32> to vector<16xf32>
        %add3A_142 = arith.constant 0 : i32
        %add3A_143 = arith.addi %mul3A_136, %add3A_142 : i32
        %swap3A = arith.index_cast %add3A_143 : i32 to index
        %swap3A_144 = arith.constant 0 : index
        %swap3A_145 = tpu.vector_load %arg10[%swap3A, %swap3A_144] {strides = array<i32>} : memref<200x128xf32, #tpu.memory_space<vmem>>, vector<1x16xf32>,
        %swap3A_146 = vector.shape_cast %swap3A_145 : vector<1x16xf32> to vector<16xf32>
        %swap3A_147 = vector.shape_cast %get3A_141 : vector<16xf32> to vector<1x16xf32>
        tpu.vector_store %arg10[%swap3A, %swap3A_144], %swap3A_147 {strides = array<i32>} : memref<200x128xf32, #tpu.memory_space<vmem>>, vector<1x16xf32>,
        %add3A_148 = arith.constant 0 : i32
        %add3A_149 = arith.addi %mul3A_136, %add3A_148 : i32
        %get3A_150 = arith.index_cast %add3A_149 : i32 to index
        %get3A_151 = arith.constant 16 : index
        %get3A_152 = tpu.vector_load %arg11[%get3A_150, %get3A_151] {strides = array<i32>} : memref<200x64xf32, #tpu.memory_space<vmem>>, vector<1x16xf32>,
        %get3A_153 = vector.shape_cast %get3A_152 : vector<1x16xf32> to vector<16xf32>
        %add3A_154 = arith.constant 0 : i32
        %add3A_155 = arith.addi %mul3A_136, %add3A_154 : i32
        %swap3A_156 = arith.index_cast %add3A_155 : i32 to index
        %swap3A_157 = arith.constant 16 : index
        %swap3A_158 = tpu.vector_load %arg10[%swap3A_156, %swap3A_157] {strides = array<i32>} : memref<200x128xf32, #tpu.memory_space<vmem>>, vector<1x16xf32>,
        %swap3A_159 = vector.shape_cast %swap3A_158 : vector<1x16xf32> to vector<16xf32>
        %swap3A_160 = vector.shape_cast %get3A_153 : vector<16xf32> to vector<1x16xf32>
        tpu.vector_store %arg10[%swap3A_156, %swap3A_157], %swap3A_160 {strides = array<i32>} : memref<200x128xf32, #tpu.memory_space<vmem>>, vector<1x16xf32>,
        %add3A_161 = arith.constant 0 : i32
        %add3A_162 = arith.addi %mul3A_136, %add3A_161 : i32
        %get3A_163 = arith.index_cast %add3A_162 : i32 to index
        %get3A_164 = arith.constant 32 : index
        %get3A_165 = tpu.vector_load %arg11[%get3A_163, %get3A_164] {strides = array<i32>} : memref<200x64xf32, #tpu.memory_space<vmem>>, vector<1x16xf32>,
        %get3A_166 = vector.shape_cast %get3A_165 : vector<1x16xf32> to vector<16xf32>
        %add3A_167 = arith.constant 0 : i32
        %add3A_168 = arith.addi %mul3A_136, %add3A_167 : i32
        %swap3A_169 = arith.index_cast %add3A_168 : i32 to index
        %swap3A_170 = arith.constant 32 : index
        %swap3A_171 = tpu.vector_load %arg10[%swap3A_169, %swap3A_170] {strides = array<i32>} : memref<200x128xf32, #tpu.memory_space<vmem>>, vector<1x16xf32>,
        %swap3A_172 = vector.shape_cast %swap3A_171 : vector<1x16xf32> to vector<16xf32>
        %swap3A_173 = vector.shape_cast %get3A_166 : vector<16xf32> to vector<1x16xf32>
        tpu.vector_store %arg10[%swap3A_169, %swap3A_170], %swap3A_173 {strides = array<i32>} : memref<200x128xf32, #tpu.memory_space<vmem>>, vector<1x16xf32>,
        %add3A_174 = arith.constant 0 : i32
        %add3A_175 = arith.addi %mul3A_136, %add3A_174 : i32
        %get3A_176 = arith.index_cast %add3A_175 : i32 to index
        %get3A_177 = arith.constant 48 : index
        %get3A_178 = tpu.vector_load %arg11[%get3A_176, %get3A_177] {strides = array<i32>} : memref<200x64xf32, #tpu.memory_space<vmem>>, vector<1x16xf32>,
        %get3A_179 = vector.shape_cast %get3A_178 : vector<1x16xf32> to vector<16xf32>
        %add3A_180 = arith.constant 0 : i32
        %add3A_181 = arith.addi %mul3A_136, %add3A_180 : i32
        %swap3A_182 = arith.index_cast %add3A_181 : i32 to index
        %swap3A_183 = arith.constant 48 : index
        %swap3A_184 = tpu.vector_load %arg10[%swap3A_182, %swap3A_183] {strides = array<i32>} : memref<200x128xf32, #tpu.memory_space<vmem>>, vector<1x16xf32>,
        %swap3A_185 = vector.shape_cast %swap3A_184 : vector<1x16xf32> to vector<16xf32>
        %swap3A_186 = vector.shape_cast %get3A_179 : vector<16xf32> to vector<1x16xf32>
        tpu.vector_store %arg10[%swap3A_182, %swap3A_183], %swap3A_186 {strides = array<i32>} : memref<200x128xf32, #tpu.memory_space<vmem>>, vector<1x16xf32>,
        %add3A_187 = arith.constant 1 : i32
        %add3A_188 = arith.addi %mul3A_136, %add3A_187 : i32
        %get3A_189 = arith.index_cast %add3A_188 : i32 to index
        %get3A_190 = arith.constant 0 : index
        %get3A_191 = tpu.vector_load %arg11[%get3A_189, %get3A_190] {strides = array<i32>} : memref<200x64xf32, #tpu.memory_space<vmem>>, vector<1x16xf32>,
        %get3A_192 = vector.shape_cast %get3A_191 : vector<1x16xf32> to vector<16xf32>
        %add3A_193 = arith.constant 1 : i32
        %add3A_194 = arith.addi %mul3A_136, %add3A_193 : i32
        %swap3A_195 = arith.index_cast %add3A_194 : i32 to index
        %swap3A_196 = arith.constant 0 : index
        %swap3A_197 = tpu.vector_load %arg10[%swap3A_195, %swap3A_196] {strides = array<i32>} : memref<200x128xf32, #tpu.memory_space<vmem>>, vector<1x16xf32>,
        %swap3A_198 = vector.shape_cast %swap3A_197 : vector<1x16xf32> to vector<16xf32>
        %swap3A_199 = vector.shape_cast %get3A_192 : vector<16xf32> to vector<1x16xf32>
        tpu.vector_store %arg10[%swap3A_195, %swap3A_196], %swap3A_199 {strides = array<i32>} : memref<200x128xf32, #tpu.memory_space<vmem>>, vector<1x16xf32>,
        %add3A_200 = arith.constant 1 : i32
        %add3A_201 = arith.addi %mul3A_136, %add3A_200 : i32
        %get3A_202 = arith.index_cast %add3A_201 : i32 to index
        %get3A_203 = arith.constant 16 : index
        %get3A_204 = tpu.vector_load %arg11[%get3A_202, %get3A_203] {strides = array<i32>} : memref<200x64xf32, #tpu.memory_space<vmem>>, vector<1x16xf32>,
        %get3A_205 = vector.shape_cast %get3A_204 : vector<1x16xf32> to vector<16xf32>
        %add3A_206 = arith.constant 1 : i32
        %add3A_207 = arith.addi %mul3A_136, %add3A_206 : i32
        %swap3A_208 = arith.index_cast %add3A_207 : i32 to index
        %swap3A_209 = arith.constant 16 : index
        %swap3A_210 = tpu.vector_load %arg10[%swap3A_208, %swap3A_209] {strides = array<i32>} : memref<200x128xf32, #tpu.memory_space<vmem>>, vector<1x16xf32>,
        %swap3A_211 = vector.shape_cast %swap3A_210 : vector<1x16xf32> to vector<16xf32>
        %swap3A_212 = vector.shape_cast %get3A_205 : vector<16xf32> to vector<1x16xf32>
        tpu.vector_store %arg10[%swap3A_208, %swap3A_209], %swap3A_212 {strides = array<i32>} : memref<200x128xf32, #tpu.memory_space<vmem>>, vector<1x16xf32>,
        %add3A_213 = arith.constant 1 : i32
        %add3A_214 = arith.addi %mul3A_136, %add3A_213 : i32
        %get3A_215 = arith.index_cast %add3A_214 : i32 to index
        %get3A_216 = arith.constant 32 : index
        %get3A_217 = tpu.vector_load %arg11[%get3A_215, %get3A_216] {strides = array<i32>} : memref<200x64xf32, #tpu.memory_space<vmem>>, vector<1x16xf32>,
        %get3A_218 = vector.shape_cast %get3A_217 : vector<1x16xf32> to vector<16xf32>
        %add3A_219 = arith.constant 1 : i32
        %add3A_220 = arith.addi %mul3A_136, %add3A_219 : i32
        %swap3A_221 = arith.index_cast %add3A_220 : i32 to index
        %swap3A_222 = arith.constant 32 : index
        %swap3A_223 = tpu.vector_load %arg10[%swap3A_221, %swap3A_222] {strides = array<i32>} : memref<200x128xf32, #tpu.memory_space<vmem>>, vector<1x16xf32>,
        %swap3A_224 = vector.shape_cast %swap3A_223 : vector<1x16xf32> to vector<16xf32>
        %swap3A_225 = vector.shape_cast %get3A_218 : vector<16xf32> to vector<1x16xf32>
        tpu.vector_store %arg10[%swap3A_221, %swap3A_222], %swap3A_225 {strides = array<i32>} : memref<200x128xf32, #tpu.memory_space<vmem>>, vector<1x16xf32>,
        %add3A_226 = arith.constant 1 : i32
        %add3A_227 = arith.addi %mul3A_136, %add3A_226 : i32
        %get3A_228 = arith.index_cast %add3A_227 : i32 to index
        %get3A_229 = arith.constant 48 : index
        %get3A_230 = tpu.vector_load %arg11[%get3A_228, %get3A_229] {strides = array<i32>} : memref<200x64xf32, #tpu.memory_space<vmem>>, vector<1x16xf32>,
        %get3A_231 = vector.shape_cast %get3A_230 : vector<1x16xf32> to vector<16xf32>
        %add3A_232 = arith.constant 1 : i32
        %add3A_233 = arith.addi %mul3A_136, %add3A_232 : i32
        %swap3A_234 = arith.index_cast %add3A_233 : i32 to index
        %swap3A_235 = arith.constant 48 : index
        %swap3A_236 = tpu.vector_load %arg10[%swap3A_234, %swap3A_235] {strides = array<i32>} : memref<200x128xf32, #tpu.memory_space<vmem>>, vector<1x16xf32>,
        %swap3A_237 = vector.shape_cast %swap3A_236 : vector<1x16xf32> to vector<16xf32>
        %swap3A_238 = vector.shape_cast %get3A_231 : vector<16xf32> to vector<1x16xf32>
        tpu.vector_store %arg10[%swap3A_234, %swap3A_235], %swap3A_238 {strides = array<i32>} : memref<200x128xf32, #tpu.memory_space<vmem>>, vector<1x16xf32>,
        %add3A_239 = arith.constant 2 : i32
        %add3A_240 = arith.addi %mul3A_136, %add3A_239 : i32
        %get3A_241 = arith.index_cast %add3A_240 : i32 to index
        %get3A_242 = arith.constant 0 : index
        %get3A_243 = tpu.vector_load %arg11[%get3A_241, %get3A_242] {strides = array<i32>} : memref<200x64xf32, #tpu.memory_space<vmem>>, vector<1x16xf32>,
        %get3A_244 = vector.shape_cast %get3A_243 : vector<1x16xf32> to vector<16xf32>
        %add3A_245 = arith.constant 2 : i32
        %add3A_246 = arith.addi %mul3A_136, %add3A_245 : i32
        %swap3A_247 = arith.index_cast %add3A_246 : i32 to index
        %swap3A_248 = arith.constant 0 : index
        %swap3A_249 = tpu.vector_load %arg10[%swap3A_247, %swap3A_248] {strides = array<i32>} : memref<200x128xf32, #tpu.memory_space<vmem>>, vector<1x16xf32>,
        %swap3A_250 = vector.shape_cast %swap3A_249 : vector<1x16xf32> to vector<16xf32>
        %swap3A_251 = vector.shape_cast %get3A_244 : vector<16xf32> to vector<1x16xf32>
        tpu.vector_store %arg10[%swap3A_247, %swap3A_248], %swap3A_251 {strides = array<i32>} : memref<200x128xf32, #tpu.memory_space<vmem>>, vector<1x16xf32>,
        %add3A_252 = arith.constant 2 : i32
        %add3A_253 = arith.addi %mul3A_136, %add3A_252 : i32
        %get3A_254 = arith.index_cast %add3A_253 : i32 to index
        %get3A_255 = arith.constant 16 : index
        %get3A_256 = tpu.vector_load %arg11[%get3A_254, %get3A_255] {strides = array<i32>} : memref<200x64xf32, #tpu.memory_space<vmem>>, vector<1x16xf32>,
        %get3A_257 = vector.shape_cast %get3A_256 : vector<1x16xf32> to vector<16xf32>
        %add3A_258 = arith.constant 2 : i32
        %add3A_259 = arith.addi %mul3A_136, %add3A_258 : i32
        %swap3A_260 = arith.index_cast %add3A_259 : i32 to index
        %swap3A_261 = arith.constant 16 : index
        %swap3A_262 = tpu.vector_load %arg10[%swap3A_260, %swap3A_261] {strides = array<i32>} : memref<200x128xf32, #tpu.memory_space<vmem>>, vector<1x16xf32>,
        %swap3A_263 = vector.shape_cast %swap3A_262 : vector<1x16xf32> to vector<16xf32>
        %swap3A_264 = vector.shape_cast %get3A_257 : vector<16xf32> to vector<1x16xf32>
        tpu.vector_store %arg10[%swap3A_260, %swap3A_261], %swap3A_264 {strides = array<i32>} : memref<200x128xf32, #tpu.memory_space<vmem>>, vector<1x16xf32>,
        %add3A_265 = arith.constant 2 : i32
        %add3A_266 = arith.addi %mul3A_136, %add3A_265 : i32
        %get3A_267 = arith.index_cast %add3A_266 : i32 to index
        %get3A_268 = arith.constant 32 : index
        %get3A_269 = tpu.vector_load %arg11[%get3A_267, %get3A_268] {strides = array<i32>} : memref<200x64xf32, #tpu.memory_space<vmem>>, vector<1x16xf32>,
        %get3A_270 = vector.shape_cast %get3A_269 : vector<1x16xf32> to vector<16xf32>
        %add3A_271 = arith.constant 2 : i32
        %add3A_272 = arith.addi %mul3A_136, %add3A_271 : i32
        %swap3A_273 = arith.index_cast %add3A_272 : i32 to index
        %swap3A_274 = arith.constant 32 : index
        %swap3A_275 = tpu.vector_load %arg10[%swap3A_273, %swap3A_274] {strides = array<i32>} : memref<200x128xf32, #tpu.memory_space<vmem>>, vector<1x16xf32>,
        %swap3A_276 = vector.shape_cast %swap3A_275 : vector<1x16xf32> to vector<16xf32>
        %swap3A_277 = vector.shape_cast %get3A_270 : vector<16xf32> to vector<1x16xf32>
        tpu.vector_store %arg10[%swap3A_273, %swap3A_274], %swap3A_277 {strides = array<i32>} : memref<200x128xf32, #tpu.memory_space<vmem>>, vector<1x16xf32>,
        %add3A_278 = arith.constant 2 : i32
        %add3A_279 = arith.addi %mul3A_136, %add3A_278 : i32
        %get3A_280 = arith.index_cast %add3A_279 : i32 to index
        %get3A_281 = arith.constant 48 : index
        %get3A_282 = tpu.vector_load %arg11[%get3A_280, %get3A_281] {strides = array<i32>} : memref<200x64xf32, #tpu.memory_space<vmem>>, vector<1x16xf32>,
        %get3A_283 = vector.shape_cast %get3A_282 : vector<1x16xf32> to vector<16xf32>
        %add3A_284 = arith.constant 2 : i32
        %add3A_285 = arith.addi %mul3A_136, %add3A_284 : i32
        %swap3A_286 = arith.index_cast %add3A_285 : i32 to index
        %swap3A_287 = arith.constant 48 : index
        %swap3A_288 = tpu.vector_load %arg10[%swap3A_286, %swap3A_287] {strides = array<i32>} : memref<200x128xf32, #tpu.memory_space<vmem>>, vector<1x16xf32>,
        %swap3A_289 = vector.shape_cast %swap3A_288 : vector<1x16xf32> to vector<16xf32>
        %swap3A_290 = vector.shape_cast %get3A_283 : vector<16xf32> to vector<1x16xf32>
        tpu.vector_store %arg10[%swap3A_286, %swap3A_287], %swap3A_290 {strides = array<i32>} : memref<200x128xf32, #tpu.memory_space<vmem>>, vector<1x16xf32>,
        %add3A_291 = arith.constant 3 : i32
        %add3A_292 = arith.addi %mul3A_136, %add3A_291 : i32
        %get3A_293 = arith.index_cast %add3A_292 : i32 to index
        %get3A_294 = arith.constant 0 : index
        %get3A_295 = tpu.vector_load %arg11[%get3A_293, %get3A_294] {strides = array<i32>} : memref<200x64xf32, #tpu.memory_space<vmem>>, vector<1x16xf32>,
        %get3A_296 = vector.shape_cast %get3A_295 : vector<1x16xf32> to vector<16xf32>
        %add3A_297 = arith.constant 3 : i32
        %add3A_298 = arith.addi %mul3A_136, %add3A_297 : i32
        %swap3A_299 = arith.index_cast %add3A_298 : i32 to index
        %swap3A_300 = arith.constant 0 : index
        %swap3A_301 = tpu.vector_load %arg10[%swap3A_299, %swap3A_300] {strides = array<i32>} : memref<200x128xf32, #tpu.memory_space<vmem>>, vector<1x16xf32>,
        %swap3A_302 = vector.shape_cast %swap3A_301 : vector<1x16xf32> to vector<16xf32>
        %swap3A_303 = vector.shape_cast %get3A_296 : vector<16xf32> to vector<1x16xf32>
        tpu.vector_store %arg10[%swap3A_299, %swap3A_300], %swap3A_303 {strides = array<i32>} : memref<200x128xf32, #tpu.memory_space<vmem>>, vector<1x16xf32>,
        %add3A_304 = arith.constant 3 : i32
        %add3A_305 = arith.addi %mul3A_136, %add3A_304 : i32
        %get3A_306 = arith.index_cast %add3A_305 : i32 to index
        %get3A_307 = arith.constant 16 : index
        %get3A_308 = tpu.vector_load %arg11[%get3A_306, %get3A_307] {strides = array<i32>} : memref<200x64xf32, #tpu.memory_space<vmem>>, vector<1x16xf32>,
        %get3A_309 = vector.shape_cast %get3A_308 : vector<1x16xf32> to vector<16xf32>
        %add3A_310 = arith.constant 3 : i32
        %add3A_311 = arith.addi %mul3A_136, %add3A_310 : i32
        %swap3A_312 = arith.index_cast %add3A_311 : i32 to index
        %swap3A_313 = arith.constant 16 : index
        %swap3A_314 = tpu.vector_load %arg10[%swap3A_312, %swap3A_313] {strides = array<i32>} : memref<200x128xf32, #tpu.memory_space<vmem>>, vector<1x16xf32>,
        %swap3A_315 = vector.shape_cast %swap3A_314 : vector<1x16xf32> to vector<16xf32>
        %swap3A_316 = vector.shape_cast %get3A_309 : vector<16xf32> to vector<1x16xf32>
        tpu.vector_store %arg10[%swap3A_312, %swap3A_313], %swap3A_316 {strides = array<i32>} : memref<200x128xf32, #tpu.memory_space<vmem>>, vector<1x16xf32>,
        %add3A_317 = arith.constant 3 : i32
        %add3A_318 = arith.addi %mul3A_136, %add3A_317 : i32
        %get3A_319 = arith.index_cast %add3A_318 : i32 to index
        %get3A_320 = arith.constant 32 : index
        %get3A_321 = tpu.vector_load %arg11[%get3A_319, %get3A_320] {strides = array<i32>} : memref<200x64xf32, #tpu.memory_space<vmem>>, vector<1x16xf32>,
        %get3A_322 = vector.shape_cast %get3A_321 : vector<1x16xf32> to vector<16xf32>
        %add3A_323 = arith.constant 3 : i32
        %add3A_324 = arith.addi %mul3A_136, %add3A_323 : i32
        %swap3A_325 = arith.index_cast %add3A_324 : i32 to index
        %swap3A_326 = arith.constant 32 : index
        %swap3A_327 = tpu.vector_load %arg10[%swap3A_325, %swap3A_326] {strides = array<i32>} : memref<200x128xf32, #tpu.memory_space<vmem>>, vector<1x16xf32>,
        %swap3A_328 = vector.shape_cast %swap3A_327 : vector<1x16xf32> to vector<16xf32>
        %swap3A_329 = vector.shape_cast %get3A_322 : vector<16xf32> to vector<1x16xf32>
        tpu.vector_store %arg10[%swap3A_325, %swap3A_326], %swap3A_329 {strides = array<i32>} : memref<200x128xf32, #tpu.memory_space<vmem>>, vector<1x16xf32>,
        %add3A_330 = arith.constant 3 : i32
        %add3A_331 = arith.addi %mul3A_136, %add3A_330 : i32
        %get3A_332 = arith.index_cast %add3A_331 : i32 to index
        %get3A_333 = arith.constant 48 : index
        %get3A_334 = tpu.vector_load %arg11[%get3A_332, %get3A_333] {strides = array<i32>} : memref<200x64xf32, #tpu.memory_space<vmem>>, vector<1x16xf32>,
        %get3A_335 = vector.shape_cast %get3A_334 : vector<1x16xf32> to vector<16xf32>
        %add3A_336 = arith.constant 3 : i32
        %add3A_337 = arith.addi %mul3A_136, %add3A_336 : i32
        %swap3A_338 = arith.index_cast %add3A_337 : i32 to index
        %swap3A_339 = arith.constant 48 : index
        %swap3A_340 = tpu.vector_load %arg10[%swap3A_338, %swap3A_339] {strides = array<i32>} : memref<200x128xf32, #tpu.memory_space<vmem>>, vector<1x16xf32>,
        %swap3A_341 = vector.shape_cast %swap3A_340 : vector<1x16xf32> to vector<16xf32>
        %swap3A_342 = vector.shape_cast %get3A_335 : vector<16xf32> to vector<1x16xf32>
        tpu.vector_store %arg10[%swap3A_338, %swap3A_339], %swap3A_342 {strides = array<i32>} : memref<200x128xf32, #tpu.memory_space<vmem>>, vector<1x16xf32>,
        %add3A_343 = arith.constant 4 : i32
        %add3A_344 = arith.addi %mul3A_136, %add3A_343 : i32
        %get3A_345 = arith.index_cast %add3A_344 : i32 to index
        %get3A_346 = arith.constant 0 : index
        %get3A_347 = tpu.vector_load %arg11[%get3A_345, %get3A_346] {strides = array<i32>} : memref<200x64xf32, #tpu.memory_space<vmem>>, vector<1x16xf32>,
        %get3A_348 = vector.shape_cast %get3A_347 : vector<1x16xf32> to vector<16xf32>
        %add3A_349 = arith.constant 4 : i32
        %add3A_350 = arith.addi %mul3A_136, %add3A_349 : i32
        %swap3A_351 = arith.index_cast %add3A_350 : i32 to index
        %swap3A_352 = arith.constant 0 : index
        %swap3A_353 = tpu.vector_load %arg10[%swap3A_351, %swap3A_352] {strides = array<i32>} : memref<200x128xf32, #tpu.memory_space<vmem>>, vector<1x16xf32>,
        %swap3A_354 = vector.shape_cast %swap3A_353 : vector<1x16xf32> to vector<16xf32>
        %swap3A_355 = vector.shape_cast %get3A_348 : vector<16xf32> to vector<1x16xf32>
        tpu.vector_store %arg10[%swap3A_351, %swap3A_352], %swap3A_355 {strides = array<i32>} : memref<200x128xf32, #tpu.memory_space<vmem>>, vector<1x16xf32>,
        %add3A_356 = arith.constant 4 : i32
        %add3A_357 = arith.addi %mul3A_136, %add3A_356 : i32
        %get3A_358 = arith.index_cast %add3A_357 : i32 to index
        %get3A_359 = arith.constant 16 : index
        %get3A_360 = tpu.vector_load %arg11[%get3A_358, %get3A_359] {strides = array<i32>} : memref<200x64xf32, #tpu.memory_space<vmem>>, vector<1x16xf32>,
        %get3A_361 = vector.shape_cast %get3A_360 : vector<1x16xf32> to vector<16xf32>
        %add3A_362 = arith.constant 4 : i32
        %add3A_363 = arith.addi %mul3A_136, %add3A_362 : i32
        %swap3A_364 = arith.index_cast %add3A_363 : i32 to index
        %swap3A_365 = arith.constant 16 : index
        %swap3A_366 = tpu.vector_load %arg10[%swap3A_364, %swap3A_365] {strides = array<i32>} : memref<200x128xf32, #tpu.memory_space<vmem>>, vector<1x16xf32>,
        %swap3A_367 = vector.shape_cast %swap3A_366 : vector<1x16xf32> to vector<16xf32>
        %swap3A_368 = vector.shape_cast %get3A_361 : vector<16xf32> to vector<1x16xf32>
        tpu.vector_store %arg10[%swap3A_364, %swap3A_365], %swap3A_368 {strides = array<i32>} : memref<200x128xf32, #tpu.memory_space<vmem>>, vector<1x16xf32>,
        %add3A_369 = arith.constant 4 : i32
        %add3A_370 = arith.addi %mul3A_136, %add3A_369 : i32
        %get3A_371 = arith.index_cast %add3A_370 : i32 to index
        %get3A_372 = arith.constant 32 : index
        %get3A_373 = tpu.vector_load %arg11[%get3A_371, %get3A_372] {strides = array<i32>} : memref<200x64xf32, #tpu.memory_space<vmem>>, vector<1x16xf32>,
        %get3A_374 = vector.shape_cast %get3A_373 : vector<1x16xf32> to vector<16xf32>
        %add3A_375 = arith.constant 4 : i32
        %add3A_376 = arith.addi %mul3A_136, %add3A_375 : i32
        %swap3A_377 = arith.index_cast %add3A_376 : i32 to index
        %swap3A_378 = arith.constant 32 : index
        %swap3A_379 = tpu.vector_load %arg10[%swap3A_377, %swap3A_378] {strides = array<i32>} : memref<200x128xf32, #tpu.memory_space<vmem>>, vector<1x16xf32>,
        %swap3A_380 = vector.shape_cast %swap3A_379 : vector<1x16xf32> to vector<16xf32>
        %swap3A_381 = vector.shape_cast %get3A_374 : vector<16xf32> to vector<1x16xf32>
        tpu.vector_store %arg10[%swap3A_377, %swap3A_378], %swap3A_381 {strides = array<i32>} : memref<200x128xf32, #tpu.memory_space<vmem>>, vector<1x16xf32>,
        %add3A_382 = arith.constant 4 : i32
        %add3A_383 = arith.addi %mul3A_136, %add3A_382 : i32
        %get3A_384 = arith.index_cast %add3A_383 : i32 to index
        %get3A_385 = arith.constant 48 : index
        %get3A_386 = tpu.vector_load %arg11[%get3A_384, %get3A_385] {strides = array<i32>} : memref<200x64xf32, #tpu.memory_space<vmem>>, vector<1x16xf32>,
        %get3A_387 = vector.shape_cast %get3A_386 : vector<1x16xf32> to vector<16xf32>
        %add3A_388 = arith.constant 4 : i32
        %add3A_389 = arith.addi %mul3A_136, %add3A_388 : i32
        %swap3A_390 = arith.index_cast %add3A_389 : i32 to index
        %swap3A_391 = arith.constant 48 : index
        %swap3A_392 = tpu.vector_load %arg10[%swap3A_390, %swap3A_391] {strides = array<i32>} : memref<200x128xf32, #tpu.memory_space<vmem>>, vector<1x16xf32>,
        %swap3A_393 = vector.shape_cast %swap3A_392 : vector<1x16xf32> to vector<16xf32>
        %swap3A_394 = vector.shape_cast %get3A_387 : vector<16xf32> to vector<1x16xf32>
        tpu.vector_store %arg10[%swap3A_390, %swap3A_391], %swap3A_394 {strides = array<i32>} : memref<200x128xf32, #tpu.memory_space<vmem>>, vector<1x16xf32>,
        %add3A_395 = arith.constant 5 : i32
        %add3A_396 = arith.addi %mul3A_136, %add3A_395 : i32
        %get3A_397 = arith.index_cast %add3A_396 : i32 to index
        %get3A_398 = arith.constant 0 : index
        %get3A_399 = tpu.vector_load %arg11[%get3A_397, %get3A_398] {strides = array<i32>} : memref<200x64xf32, #tpu.memory_space<vmem>>, vector<1x16xf32>,
        %get3A_400 = vector.shape_cast %get3A_399 : vector<1x16xf32> to vector<16xf32>
        %add3A_401 = arith.constant 5 : i32
        %add3A_402 = arith.addi %mul3A_136, %add3A_401 : i32
        %swap3A_403 = arith.index_cast %add3A_402 : i32 to index
        %swap3A_404 = arith.constant 0 : index
        %swap3A_405 = tpu.vector_load %arg10[%swap3A_403, %swap3A_404] {strides = array<i32>} : memref<200x128xf32, #tpu.memory_space<vmem>>, vector<1x16xf32>,
        %swap3A_406 = vector.shape_cast %swap3A_405 : vector<1x16xf32> to vector<16xf32>
        %swap3A_407 = vector.shape_cast %get3A_400 : vector<16xf32> to vector<1x16xf32>
        tpu.vector_store %arg10[%swap3A_403, %swap3A_404], %swap3A_407 {strides = array<i32>} : memref<200x128xf32, #tpu.memory_space<vmem>>, vector<1x16xf32>,
        %add3A_408 = arith.constant 5 : i32
        %add3A_409 = arith.addi %mul3A_136, %add3A_408 : i32
        %get3A_410 = arith.index_cast %add3A_409 : i32 to index
        %get3A_411 = arith.constant 16 : index
        %get3A_412 = tpu.vector_load %arg11[%get3A_410, %get3A_411] {strides = array<i32>} : memref<200x64xf32, #tpu.memory_space<vmem>>, vector<1x16xf32>,
        %get3A_413 = vector.shape_cast %get3A_412 : vector<1x16xf32> to vector<16xf32>
        %add3A_414 = arith.constant 5 : i32
        %add3A_415 = arith.addi %mul3A_136, %add3A_414 : i32
        %swap3A_416 = arith.index_cast %add3A_415 : i32 to index
        %swap3A_417 = arith.constant 16 : index
        %swap3A_418 = tpu.vector_load %arg10[%swap3A_416, %swap3A_417] {strides = array<i32>} : memref<200x128xf32, #tpu.memory_space<vmem>>, vector<1x16xf32>,
        %swap3A_419 = vector.shape_cast %swap3A_418 : vector<1x16xf32> to vector<16xf32>
        %swap3A_420 = vector.shape_cast %get3A_413 : vector<16xf32> to vector<1x16xf32>
        tpu.vector_store %arg10[%swap3A_416, %swap3A_417], %swap3A_420 {strides = array<i32>} : memref<200x128xf32, #tpu.memory_space<vmem>>, vector<1x16xf32>,
        %add3A_421 = arith.constant 5 : i32
        %add3A_422 = arith.addi %mul3A_136, %add3A_421 : i32
        %get3A_423 = arith.index_cast %add3A_422 : i32 to index
        %get3A_424 = arith.constant 32 : index
        %get3A_425 = tpu.vector_load %arg11[%get3A_423, %get3A_424] {strides = array<i32>} : memref<200x64xf32, #tpu.memory_space<vmem>>, vector<1x16xf32>,
        %get3A_426 = vector.shape_cast %get3A_425 : vector<1x16xf32> to vector<16xf32>
        %add3A_427 = arith.constant 5 : i32
        %add3A_428 = arith.addi %mul3A_136, %add3A_427 : i32
        %swap3A_429 = arith.index_cast %add3A_428 : i32 to index
        %swap3A_430 = arith.constant 32 : index
        %swap3A_431 = tpu.vector_load %arg10[%swap3A_429, %swap3A_430] {strides = array<i32>} : memref<200x128xf32, #tpu.memory_space<vmem>>, vector<1x16xf32>,
        %swap3A_432 = vector.shape_cast %swap3A_431 : vector<1x16xf32> to vector<16xf32>
        %swap3A_433 = vector.shape_cast %get3A_426 : vector<16xf32> to vector<1x16xf32>
        tpu.vector_store %arg10[%swap3A_429, %swap3A_430], %swap3A_433 {strides = array<i32>} : memref<200x128xf32, #tpu.memory_space<vmem>>, vector<1x16xf32>,
        %add3A_434 = arith.constant 5 : i32
        %add3A_435 = arith.addi %mul3A_136, %add3A_434 : i32
        %get3A_436 = arith.index_cast %add3A_435 : i32 to index
        %get3A_437 = arith.constant 48 : index
        %get3A_438 = tpu.vector_load %arg11[%get3A_436, %get3A_437] {strides = array<i32>} : memref<200x64xf32, #tpu.memory_space<vmem>>, vector<1x16xf32>,
        %get3A_439 = vector.shape_cast %get3A_438 : vector<1x16xf32> to vector<16xf32>
        %add3A_440 = arith.constant 5 : i32
        %add3A_441 = arith.addi %mul3A_136, %add3A_440 : i32
        %swap3A_442 = arith.index_cast %add3A_441 : i32 to index
        %swap3A_443 = arith.constant 48 : index
        %swap3A_444 = tpu.vector_load %arg10[%swap3A_442, %swap3A_443] {strides = array<i32>} : memref<200x128xf32, #tpu.memory_space<vmem>>, vector<1x16xf32>,
        %swap3A_445 = vector.shape_cast %swap3A_444 : vector<1x16xf32> to vector<16xf32>
        %swap3A_446 = vector.shape_cast %get3A_439 : vector<16xf32> to vector<1x16xf32>
        tpu.vector_store %arg10[%swap3A_442, %swap3A_443], %swap3A_446 {strides = array<i32>} : memref<200x128xf32, #tpu.memory_space<vmem>>, vector<1x16xf32>,
        %add3A_447 = arith.constant 6 : i32
        %add3A_448 = arith.addi %mul3A_136, %add3A_447 : i32
        %get3A_449 = arith.index_cast %add3A_448 : i32 to index
        %get3A_450 = arith.constant 0 : index
        %get3A_451 = tpu.vector_load %arg11[%get3A_449, %get3A_450] {strides = array<i32>} : memref<200x64xf32, #tpu.memory_space<vmem>>, vector<1x16xf32>,
        %get3A_452 = vector.shape_cast %get3A_451 : vector<1x16xf32> to vector<16xf32>
        %add3A_453 = arith.constant 6 : i32
        %add3A_454 = arith.addi %mul3A_136, %add3A_453 : i32
        %swap3A_455 = arith.index_cast %add3A_454 : i32 to index
        %swap3A_456 = arith.constant 0 : index
        %swap3A_457 = tpu.vector_load %arg10[%swap3A_455, %swap3A_456] {strides = array<i32>} : memref<200x128xf32, #tpu.memory_space<vmem>>, vector<1x16xf32>,
        %swap3A_458 = vector.shape_cast %swap3A_457 : vector<1x16xf32> to vector<16xf32>
        %swap3A_459 = vector.shape_cast %get3A_452 : vector<16xf32> to vector<1x16xf32>
        tpu.vector_store %arg10[%swap3A_455, %swap3A_456], %swap3A_459 {strides = array<i32>} : memref<200x128xf32, #tpu.memory_space<vmem>>, vector<1x16xf32>,
        %add3A_460 = arith.constant 6 : i32
        %add3A_461 = arith.addi %mul3A_136, %add3A_460 : i32
        %get3A_462 = arith.index_cast %add3A_461 : i32 to index
        %get3A_463 = arith.constant 16 : index
        %get3A_464 = tpu.vector_load %arg11[%get3A_462, %get3A_463] {strides = array<i32>} : memref<200x64xf32, #tpu.memory_space<vmem>>, vector<1x16xf32>,
        %get3A_465 = vector.shape_cast %get3A_464 : vector<1x16xf32> to vector<16xf32>
        %add3A_466 = arith.constant 6 : i32
        %add3A_467 = arith.addi %mul3A_136, %add3A_466 : i32
        %swap3A_468 = arith.index_cast %add3A_467 : i32 to index
        %swap3A_469 = arith.constant 16 : index
        %swap3A_470 = tpu.vector_load %arg10[%swap3A_468, %swap3A_469] {strides = array<i32>} : memref<200x128xf32, #tpu.memory_space<vmem>>, vector<1x16xf32>,
        %swap3A_471 = vector.shape_cast %swap3A_470 : vector<1x16xf32> to vector<16xf32>
        %swap3A_472 = vector.shape_cast %get3A_465 : vector<16xf32> to vector<1x16xf32>
        tpu.vector_store %arg10[%swap3A_468, %swap3A_469], %swap3A_472 {strides = array<i32>} : memref<200x128xf32, #tpu.memory_space<vmem>>, vector<1x16xf32>,
        %add3A_473 = arith.constant 6 : i32
        %add3A_474 = arith.addi %mul3A_136, %add3A_473 : i32
        %get3A_475 = arith.index_cast %add3A_474 : i32 to index
        %get3A_476 = arith.constant 32 : index
        %get3A_477 = tpu.vector_load %arg11[%get3A_475, %get3A_476] {strides = array<i32>} : memref<200x64xf32, #tpu.memory_space<vmem>>, vector<1x16xf32>,
        %get3A_478 = vector.shape_cast %get3A_477 : vector<1x16xf32> to vector<16xf32>
        %add3A_479 = arith.constant 6 : i32
        %add3A_480 = arith.addi %mul3A_136, %add3A_479 : i32
        %swap3A_481 = arith.index_cast %add3A_480 : i32 to index
        %swap3A_482 = arith.constant 32 : index
        %swap3A_483 = tpu.vector_load %arg10[%swap3A_481, %swap3A_482] {strides = array<i32>} : memref<200x128xf32, #tpu.memory_space<vmem>>, vector<1x16xf32>,
        %swap3A_484 = vector.shape_cast %swap3A_483 : vector<1x16xf32> to vector<16xf32>
        %swap3A_485 = vector.shape_cast %get3A_478 : vector<16xf32> to vector<1x16xf32>
        tpu.vector_store %arg10[%swap3A_481, %swap3A_482], %swap3A_485 {strides = array<i32>} : memref<200x128xf32, #tpu.memory_space<vmem>>, vector<1x16xf32>,
        %add3A_486 = arith.constant 6 : i32
        %add3A_487 = arith.addi %mul3A_136, %add3A_486 : i32
        %get3A_488 = arith.index_cast %add3A_487 : i32 to index
        %get3A_489 = arith.constant 48 : index
        %get3A_490 = tpu.vector_load %arg11[%get3A_488, %get3A_489] {strides = array<i32>} : memref<200x64xf32, #tpu.memory_space<vmem>>, vector<1x16xf32>,
        %get3A_491 = vector.shape_cast %get3A_490 : vector<1x16xf32> to vector<16xf32>
        %add3A_492 = arith.constant 6 : i32
        %add3A_493 = arith.addi %mul3A_136, %add3A_492 : i32
        %swap3A_494 = arith.index_cast %add3A_493 : i32 to index
        %swap3A_495 = arith.constant 48 : index
        %swap3A_496 = tpu.vector_load %arg10[%swap3A_494, %swap3A_495] {strides = array<i32>} : memref<200x128xf32, #tpu.memory_space<vmem>>, vector<1x16xf32>,
        %swap3A_497 = vector.shape_cast %swap3A_496 : vector<1x16xf32> to vector<16xf32>
        %swap3A_498 = vector.shape_cast %get3A_491 : vector<16xf32> to vector<1x16xf32>
        tpu.vector_store %arg10[%swap3A_494, %swap3A_495], %swap3A_498 {strides = array<i32>} : memref<200x128xf32, #tpu.memory_space<vmem>>, vector<1x16xf32>,
        %add3A_499 = arith.constant 7 : i32
        %add3A_500 = arith.addi %mul3A_136, %add3A_499 : i32
        %get3A_501 = arith.index_cast %add3A_500 : i32 to index
        %get3A_502 = arith.constant 0 : index
        %get3A_503 = tpu.vector_load %arg11[%get3A_501, %get3A_502] {strides = array<i32>} : memref<200x64xf32, #tpu.memory_space<vmem>>, vector<1x16xf32>,
        %get3A_504 = vector.shape_cast %get3A_503 : vector<1x16xf32> to vector<16xf32>
        %add3A_505 = arith.constant 7 : i32
        %add3A_506 = arith.addi %mul3A_136, %add3A_505 : i32
        %swap3A_507 = arith.index_cast %add3A_506 : i32 to index
        %swap3A_508 = arith.constant 0 : index
        %swap3A_509 = tpu.vector_load %arg10[%swap3A_507, %swap3A_508] {strides = array<i32>} : memref<200x128xf32, #tpu.memory_space<vmem>>, vector<1x16xf32>,
        %swap3A_510 = vector.shape_cast %swap3A_509 : vector<1x16xf32> to vector<16xf32>
        %swap3A_511 = vector.shape_cast %get3A_504 : vector<16xf32> to vector<1x16xf32>
        tpu.vector_store %arg10[%swap3A_507, %swap3A_508], %swap3A_511 {strides = array<i32>} : memref<200x128xf32, #tpu.memory_space<vmem>>, vector<1x16xf32>,
        %add3A_512 = arith.constant 7 : i32
        %add3A_513 = arith.addi %mul3A_136, %add3A_512 : i32
        %get3A_514 = arith.index_cast %add3A_513 : i32 to index
        %get3A_515 = arith.constant 16 : index
        %get3A_516 = tpu.vector_load %arg11[%get3A_514, %get3A_515] {strides = array<i32>} : memref<200x64xf32, #tpu.memory_space<vmem>>, vector<1x16xf32>,
        %get3A_517 = vector.shape_cast %get3A_516 : vector<1x16xf32> to vector<16xf32>
        %add3A_518 = arith.constant 7 : i32
        %add3A_519 = arith.addi %mul3A_136, %add3A_518 : i32
        %swap3A_520 = arith.index_cast %add3A_519 : i32 to index
        %swap3A_521 = arith.constant 16 : index
        %swap3A_522 = tpu.vector_load %arg10[%swap3A_520, %swap3A_521] {strides = array<i32>} : memref<200x128xf32, #tpu.memory_space<vmem>>, vector<1x16xf32>,
        %swap3A_523 = vector.shape_cast %swap3A_522 : vector<1x16xf32> to vector<16xf32>
        %swap3A_524 = vector.shape_cast %get3A_517 : vector<16xf32> to vector<1x16xf32>
        tpu.vector_store %arg10[%swap3A_520, %swap3A_521], %swap3A_524 {strides = array<i32>} : memref<200x128xf32, #tpu.memory_space<vmem>>, vector<1x16xf32>,
        %add3A_525 = arith.constant 7 : i32
        %add3A_526 = arith.addi %mul3A_136, %add3A_525 : i32
        %get3A_527 = arith.index_cast %add3A_526 : i32 to index
        %get3A_528 = arith.constant 32 : index
        %get3A_529 = tpu.vector_load %arg11[%get3A_527, %get3A_528] {strides = array<i32>} : memref<200x64xf32, #tpu.memory_space<vmem>>, vector<1x16xf32>,
        %get3A_530 = vector.shape_cast %get3A_529 : vector<1x16xf32> to vector<16xf32>
        %add3A_531 = arith.constant 7 : i32
        %add3A_532 = arith.addi %mul3A_136, %add3A_531 : i32
        %swap3A_533 = arith.index_cast %add3A_532 : i32 to index
        %swap3A_534 = arith.constant 32 : index
        %swap3A_535 = tpu.vector_load %arg10[%swap3A_533, %swap3A_534] {strides = array<i32>} : memref<200x128xf32, #tpu.memory_space<vmem>>, vector<1x16xf32>,
        %swap3A_536 = vector.shape_cast %swap3A_535 : vector<1x16xf32> to vector<16xf32>
        %swap3A_537 = vector.shape_cast %get3A_530 : vector<16xf32> to vector<1x16xf32>
        tpu.vector_store %arg10[%swap3A_533, %swap3A_534], %swap3A_537 {strides = array<i32>} : memref<200x128xf32, #tpu.memory_space<vmem>>, vector<1x16xf32>,
        %add3A_538 = arith.constant 7 : i32
        %add3A_539 = arith.addi %mul3A_136, %add3A_538 : i32
        %get3A_540 = arith.index_cast %add3A_539 : i32 to index
        %get3A_541 = arith.constant 48 : index
        %get3A_542 = tpu.vector_load %arg11[%get3A_540, %get3A_541] {strides = array<i32>} : memref<200x64xf32, #tpu.memory_space<vmem>>, vector<1x16xf32>,
        %get3A_543 = vector.shape_cast %get3A_542 : vector<1x16xf32> to vector<16xf32>
        %add3A_544 = arith.constant 7 : i32
        %add3A_545 = arith.addi %mul3A_136, %add3A_544 : i32
        %swap3A_546 = arith.index_cast %add3A_545 : i32 to index
        %swap3A_547 = arith.constant 48 : index
        %swap3A_548 = tpu.vector_load %arg10[%swap3A_546, %swap3A_547] {strides = array<i32>} : memref<200x128xf32, #tpu.memory_space<vmem>>, vector<1x16xf32>,
        %swap3A_549 = vector.shape_cast %swap3A_548 : vector<1x16xf32> to vector<16xf32>
        %swap3A_550 = vector.shape_cast %get3A_543 : vector<16xf32> to vector<1x16xf32>
        tpu.vector_store %arg10[%swap3A_546, %swap3A_547], %swap3A_550 {strides = array<i32>} : memref<200x128xf32, #tpu.memory_space<vmem>>, vector<1x16xf32>,
      }
      %scan3A_129 = arith.constant 25 : i32
      %dma_start3A_130 = arith.constant 0 : i32
      %dma_start3A_131 = tpu.memref_slice %arg5[%add3A_29, %dma_start3A_130] : memref<819200x128xf32, #tpu.memory_space<hbm>> -> memref<200x128xf32, #tpu.memory_space<hbm>>
      %dma_start3A_132 = arith.constant 0 : i32
      %dma_start3A_133 = tpu.memref_slice %arg5[%add3A_29, %dma_start3A_132] : memref<819200x128xf32, #tpu.memory_space<hbm>> -> memref<200x128xf32, #tpu.memory_space<hbm>>
      tpu.enqueue_dma source(%arg10 : memref<200x128xf32, #tpu.memory_space<vmem>>) target(%dma_start3A_133 : memref<200x128xf32, #tpu.memory_space<hbm>>) target_semaphore(%arg15 : memref<!tpu.dma_semaphore, #tpu.memory_space<semaphore_mem>>)
    }
    %scan3A_10 = arith.constant 64 : i32
    %add3A_11 = arith.constant 25200 : i32
    %add3A_12 = arith.addi %mul3A_6, %add3A_11 : i32
    %dma_wait3A = arith.constant 0 : i32
    %dma_wait3A_13 = tpu.memref_slice %arg5[%add3A_12, %dma_wait3A] : memref<819200x128xf32, #tpu.memory_space<hbm>> -> memref<200x128xf32, #tpu.memory_space<hbm>>
    %dma_wait3A_14 = arith.constant 0 : i32
    %dma_wait3A_15 = tpu.memref_slice %arg5[%add3A_12, %dma_wait3A_14] : memref<819200x128xf32, #tpu.memory_space<hbm>> -> memref<200x128xf32, #tpu.memory_space<hbm>>
    tpu.wait_dma2 semaphore(%arg14 : memref<!tpu.dma_semaphore, #tpu.memory_space<semaphore_mem>>) src(%arg7 : memref<200x128xf32, #tpu.memory_space<vmem>>) dst(%dma_wait3A_15 : memref<200x128xf32, #tpu.memory_space<hbm>>)
    %add3A_16 = arith.constant 200 : i32
    %add3A_17 = arith.addi %add3A_12, %add3A_16 : i32
    %dma_wait3A_18 = arith.constant 0 : i32
    %dma_wait3A_19 = tpu.memref_slice %arg5[%add3A_17, %dma_wait3A_18] : memref<819200x128xf32, #tpu.memory_space<hbm>> -> memref<200x128xf32, #tpu.memory_space<hbm>>
    %dma_wait3A_20 = arith.constant 0 : i32
    %dma_wait3A_21 = tpu.memref_slice %arg5[%add3A_17, %dma_wait3A_20] : memref<819200x128xf32, #tpu.memory_space<hbm>> -> memref<200x128xf32, #tpu.memory_space<hbm>>
    tpu.wait_dma2 semaphore(%arg15 : memref<!tpu.dma_semaphore, #tpu.memory_space<semaphore_mem>>) src(%arg10 : memref<200x128xf32, #tpu.memory_space<vmem>>) dst(%dma_wait3A_21 : memref<200x128xf32, #tpu.memory_space<hbm>>)
    return
  }
}

</mosaic_0001>

<sc_bundles>
// kernel: kernel.3.cloned.1.call-start
scs
__scs_entry_jumppad:
0x0: {  	(pc) =	sbr.rel $0x88, $3  }
0x1: {  	(tag) =	ssettag $0x0;
	lr =	simm.s32 $0x1  }
0x2: {  	[smem:$0x3F9E] =	sst lr;
	_ =	strace $0xD0000000  }
0x3: {  	_ = 	snop  }
0x4: {  	_ = 	snop  }
0x5: {  	_ = 	snop  }
0x6: {  	_ = 	snop  }
0x7: {  	_ = 	snop  }
__scs_overlays_trampoline_lowered:
0x8: {  	[smem:$0x3FAD] =	sst s0  }
0x9: {  	[smem:$0x3FAE] =	sst s1  }
0xa: {  	[smem:$0x3FAF] =	sst s2  }
0xb: {  	[smem:$0x3FB0] =	sst s3  }
0xc: {  	[smem:$0x3FB1] =	sst s4  }
0xd: {  	[smem:$0x3FB2] =	sst s5  }
0xe: {  	[smem:$0x3FB3] =	sst s6  }
0xf: {  	[smem:$0x3FB4] =	sst s7  }
0x10: {  	[smem:$0x3FB5] =	sst s8  }
0x11: {  	[smem:$0x3FB6] =	sst s9;
	s0 =	simm.s32 @!p0 $0x0  }
0x12: {  	s1 =	sld [smem:$0x3F9C];
	s0 =	simm.s32 @p0 $0x1  }
0x13: {  	[smem:$0x3FB7] =	sst s0;
	s0 =	simm.s32 @!p1 $0x0  }
0x14: {  	s2 =	sld [smem:$0x3F9B];
	s0 =	simm.s32 @p1 $0x1  }
0x15: {  	[smem:$0x3FB8] =	sst s0;
	s0 =	simm.s32 @!p2 $0x0  }
0x16: {  	s3 =	sld [smem:$0x3FDB];
	s0 =	simm.s32 @p2 $0x1  }
0x17: {  	s4 =	simm.s32 $0x1BF5;
	[smem:$0x3FBA] =	sst s0  }
0x18: {  	s0 =	sld [smem:$0x3F9D];
	_ =	swait.ge [sflag:s4], $0x0  }
0x19: {  	s7 =	sld [smem:$0x3F9E]  }
0x1a: {  	s8 =	sadd.s32 $0xFFFFE003, lr  }
0x1b: {  	s9 =	sadd.s32 $0xFFFFFEF7, lr;
	s5 =	simm.s32 $0xFFFFFFFF;
	p2 =	slt.u32 s8, $0xFFFFF086  }
0x1c: {  	p1 =	slt.u32 s9, $0xF7A;
	s5 =	simm.s32 @!p2 $0x0  }
0x1d: {  	s5 =	simm.s32 @p1 $0x1;
	p0 =	seq.s32 s7, s2  }
0x1e: {  	s7 =	smul.u32 @!p0 $0xF7A, s2;
	p2 =	seq.s32 @!p0 s5, $0x0  }
0x1f: {  	s9 =	smul.u32 $0xF7A, s1;
	s8 =	simm.s32 @!p0 $0x1BF5;
	p2 =	por !p2, p0  }
0x20: {  	[sflag:s8] =	ssyncset.s32 @!p0 $0xFFFFF086;
	s6 =	sadd.s32 @!p0 s3, s7;
	s7 =	simm.s32 @!p0 $0x108  }
0x21: {  	s3 =	sadd.s32 s3, s9;
	s6 =	sadd.s32 @!p0 $0x88, s6;
	s7 =	simm.s32 @p2 $0x1082  }
0x22: {  	[simem:s7], [sflag:s8] =	dma.local @!p0 [hbm:s6], $0xF7A  }
0x23: {  	s9 =	sor.u32 $0xD0000000, s2;
	s6 =	simm.s32 $0x108;
	_ =	swait.ge @!p0 [sflag:s8], $0x0  }
0x24: {  	s3 =	sadd.s32 $0x88, s3;
	s6 =	simm.s32 @!p1 $0x1082;
	[sflag:s4] =	ssyncset.s32 $0xFFFFF086  }
0x25: {  	[simem:s6], [sflag:s4] =	dma.local [hbm:s3], $0xF7A  }
0x26: {  	[smem:$0x3F9E] =	sst s1;
	(tag) =	ssettag s2;
	_ =	strace s9  }
0x27: {  	s1 =	sld [smem:$0x3FAE]  }
0x28: {  	s2 =	sld [smem:$0x3FAF]  }
0x29: {  	s4 =	sld [smem:$0x3FB1]  }
0x2a: {  	p0 =	seq.s32 s5, $0x0;
	s5 =	sld [smem:$0x3FB2]  }
0x2b: {  	s6 =	sld [smem:$0x3FB3]  }
0x2c: {  	s7 =	sld [smem:$0x3FB4]  }
0x2d: {  	s3 =	simm.s32 $0x108;
	s8 =	sld [smem:$0x3FB5]  }
0x2e: {  	s3 =	simm.s32 @!p0 $0x1082;
	s9 =	sld [smem:$0x3FB6]  }
0x2f: {  	lr =	sadd.s32 s0, s3;
	s0 =	sld [smem:$0x3FAD]  }
0x30: {  	s3 =	sld [smem:$0x3FB0]  }
0x31: {  	[smem:$0x3FB9] =	sst s10  }
0x32: {  	s10 =	sld [smem:$0x3FB7];
	_ =	sdelay $0x3  }
0x33: {  	p0 =	seq.s32 s10, $0x1;
	s10 =	sld [smem:$0x3FB9];
	_ =	sdelay $0x3  }
0x34: {  	[smem:$0x3FB9] =	sst s10  }
0x35: {  	s10 =	sld [smem:$0x3FB8];
	_ =	sdelay $0x3  }
0x36: {  	p1 =	seq.s32 s10, $0x1;
	s10 =	sld [smem:$0x3FB9];
	_ =	sdelay $0x3  }
0x37: {  	[smem:$0x3FB9] =	sst s10  }
0x38: {  	s10 =	sld [smem:$0x3FBA]  }
0x39: {  	_ = 	snop;
	(pc) =	sbr.ind lr, $3  }
0x3a: {  	_ = 	snop  }
0x3b: {  	_ = 	snop  }
0x3c: {  	p2 =	seq.s32 s10, $0x1;
	s10 =	sld [smem:$0x3FB9]  }
0x3d: {  	_ =	shalt  }
0x3e: {  	_ =	shalt  }
0x3f: {  	_ =	shalt  }
0x40: {  	_ =	shalt  }
0x41: {  	_ =	shalt  }
0x42: {  	_ =	shalt  }
0x43: {  	_ =	shalt  }
0x44: {  	_ =	shalt  }
0x45: {  	_ =	shalt  }
0x46: {  	_ =	shalt  }
0x47: {  	_ =	shalt  }
0x48: {  	_ =	shalt  }
0x49: {  	_ =	shalt  }
0x4a: {  	_ =	shalt  }
0x4b: {  	_ =	shalt  }
0x4c: {  	_ =	shalt  }
0x4d: {  	_ =	shalt  }
0x4e: {  	_ =	shalt  }
0x4f: {  	_ =	shalt  }
0x50: {  	_ =	shalt  }
0x51: {  	_ =	shalt  }
0x52: {  	_ =	shalt  }
0x53: {  	_ =	shalt  }
0x54: {  	_ =	shalt  }
0x55: {  	_ =	shalt  }
0x56: {  	_ =	shalt  }
0x57: {  	_ =	shalt  }
0x58: {  	_ =	shalt  }
0x59: {  	_ =	shalt  }
0x5a: {  	_ =	shalt  }
0x5b: {  	_ =	shalt  }
0x5c: {  	_ =	shalt  }
0x5d: {  	_ =	shalt  }
0x5e: {  	_ =	shalt  }
0x5f: {  	_ =	shalt  }
0x60: {  	_ =	shalt  }
0x61: {  	_ =	shalt  }
0x62: {  	_ =	shalt  }
0x63: {  	_ =	shalt  }
0x64: {  	_ =	shalt  }
0x65: {  	_ =	shalt  }
0x66: {  	_ =	shalt  }
0x67: {  	_ =	shalt  }
0x68: {  	_ =	shalt  }
0x69: {  	_ =	shalt  }
0x6a: {  	_ =	shalt  }
0x6b: {  	_ =	shalt  }
0x6c: {  	_ =	shalt  }
0x6d: {  	_ =	shalt  }
0x6e: {  	_ =	shalt  }
0x6f: {  	_ =	shalt  }
0x70: {  	_ =	shalt  }
0x71: {  	_ =	shalt  }
0x72: {  	_ =	shalt  }
0x73: {  	_ =	shalt  }
0x74: {  	_ =	shalt  }
0x75: {  	_ =	shalt  }
0x76: {  	_ =	shalt  }
0x77: {  	_ =	shalt  }
0x78: {  	_ =	shalt  }
0x79: {  	_ =	shalt  }
0x7a: {  	_ =	shalt  }
0x7b: {  	_ =	shalt  }
0x7c: {  	_ =	shalt  }
0x7d: {  	_ =	shalt  }
0x7e: {  	_ =	shalt  }
0x7f: {  	_ =	shalt  }
0x80: {  	_ =	shalt  }
0x81: {  	_ =	shalt  }
0x82: {  	_ =	shalt  }
0x83: {  	_ =	shalt  }
0x84: {  	_ =	shalt  }
0x85: {  	_ =	shalt  }
0x86: {  	_ =	shalt  }
0x87: {  	_ =	shalt  }
.Lfunc_end0:
.L_simem_size_0:
called_computation_lowered:
.L_overlay_start_0:
0x88: {  	s2 =	sld [smem:$0x3FD9]  }
0x89: {  	s3 =	sld [smem:$0x3FFE];
	_ =	sdelay $0x1  }
0x8a: {  	s1 =	srdreg.scid  }
0x8b: {  	s0 =	sand.u32 $0x1, s1  }
0x8c: {  	s17 =	sshll.u32 s0, $0xA;
	s2 =	sadd.s32 s3, s2  }
0x8d: {  	s2 =	sadd.s32 s2, s17  }
0x8e: {  	[smem:$0x3FC5] =	sst s2  }
0x8f: {  	_ = 	snop  }
0x90: {  	s2 =	sld [smem:$0x3FD0];
	(tm) =	ssettm $0x1  }
0x91: {  	s18 =	sld [smem:$0x3FFB];
	_ =	sdelay $0x3  }
0x92: {  	_ =	strace s18  }
0x93: {  	s3 =	sld [smem:$0x3FFC];
	_ =	sdelay $0x3  }
0x94: {  	_ =	strace s3  }
0x95: {  	s3 =	sld [smem:$0x3FFD];
	_ =	sdelay $0x3  }
0x96: {  	_ =	strace s3  }
0x97: {  	_ =	strace $0x8FFFFFFF  }
0x98: {  	s19 =	sld [smem:$0x3FDB];
	_ =	sdelay $0x1  }
0x99: {  	s4 =	simm.s32 $_scs_section_size  }
0x9a: {  	s5 =	simm.s32 $_size__tile_overlayer_lowered;
	s6 =	simm.s32 $_tile_overlayer_lowered  }
0x9b: {  	s22 =	simm.s32 $0x1BFF;
	s21 =	sshll.u32 s6, $0x1;
	s3 =	sadd.s32 s4, s19  }
0x9c: {  	s7 =	simm.s32 $0x0;
	s20 =	sshll.u32 s5, $0x1;
	s5 =	sadd.s32 s21, s3  }
0x9d: {  	[timem:s7], [sflag:s22] =	dma.local [hbm:s5], s20  }
0x9e: {  	_ =	swait.ge [sflag:s22], s20  }
0x9f: {  	s4 =	ssub.s32 $0x0, s20;
	[sflag:s22] =	ssyncset.done $0x0  }
0xa0: {  	[sflag:s22] =	ssyncadd.s32 s4;
	_ =	sdelay $0x1  }
0xa1: {  	s23 =	simm.s32 $0x1B8B  }
0xa2: {  	_ =	swait.ge [sflag:s23], $0x1  }
0xa3: {  	[sflag:s23] =	ssyncset.done $0x0  }
0xa4: {  	s25 =	simm.s32 $0x1B8E;
	s24 =	sld [smem:$0x3FFE];
	[sflag:s23] =	ssyncadd.s32 $0xFFFFFFFF  }
0xa5: {  	s26 =	simm.s32 $execute0_lowered;
	[smem:$0x3FD2] =	sst s25  }
0xa6: {  	s5 =	sshll.u32 s26, $0x1;
	_ =	strace $0x80000046;
	[dreg:$0x1] =	wrdreg $0xFFFFFFFF  }
0xa7: {  	s28 =	simm.s32 $_size_execute0_lowered;
	s3 =	sadd.s32 s3, s5;
	[dreg:$0x0] =	wrdreg $0x0  }
0xa8: {  	s5 =	sshll.u32 s28, $0x1;
	[dreg:$0x2] =	wrdreg s3  }
0xa9: {  	[dreg:$0x3] =	wrdreg s5  }
0xaa: {  	[dreg:$0x4] =	wrdreg $0xC0  }
0xab: {  	_ =	task [dreg:s7], $0x5FFFF  }
0xac: {  	[dreg:$0x1] =	wrdreg $0xFFFFFFFF  }
0xad: {  	[dreg:$0x0] =	wrdreg $0x60  }
0xae: {  	[dreg:$0x2] =	wrdreg s24  }
0xaf: {  	[dreg:$0x3] =	wrdreg s2  }
0xb0: {  	[dreg:$0x4] =	wrdreg $0x9  }
0xb1: {  	_ =	task.clear_ibuf [dreg:s7], $0x5FFFF;
	_ =	strace $0x90000046  }
0xb2: {  	s29 =	simm.s32 $0x9;
	_ =	strace $0x80000048  }
0xb3: {  	_ =	swait.ge [sflag:s29], $0x1  }
0xb4: {  	[sflag:s29] =	ssyncadd.s32 $0xFFFFFFFF  }
0xb5: {  	_ =	strace $0x90000048  }
0xb6: {  	_ =	sfence  }
0xb7: {  	s30 =	sld [smem:$0x0];
	_ =	sdelay $0x2  }
0xb8: {  	s31 =	sshll.u32 s1, $0xD;
	s1 =	sshrl.u32 s1, $0x2  }
0xb9: {  	s3 =	sand.u32 $0x4000, s31;
	s1 =	sadd.s32 s1, s30  }
0xba: {  	s0 =	sor.u32 s3, s0;
	s1 =	sshll.u32 s1, $0x11  }
0xbb: {  	s0 =	sor.u32 s1, s0  }
0xbc: {  	s0 =	sadd.s32 $0x8F2B, s0  }
0xbd: {  	[sflag:s0] =	ssyncadd.remote.s32 $0x1  }
0xbe: {  	_ =	sfence.sel $0xFFFF  }
0xbf: {  	[dreg:$0x0] =	wrdreg $0xFFFFFFFF;
	(pc) =	sbr.abs _section_cstart, $3  }
0xc0: {  	[dreg:$0x1] =	wrdreg $0xFFFFFFFF  }
0xc1: {  	_ =	task.clear_ibuf [dreg:s7], $0x2FFFF;
	_ =	strace $0x9FFFFFFF  }
0xc2: {  	(tm) =	ssettm $0x7FFFFFFF  }
0xc3: {  	_ =	shalt  }
tec
execute0_lowered:
.L_overlay_start_1:
0x0: {  	(tag) =	ssettag $0x1  }
0x1: {  	s6 =	rddreg [dreg:$0x0]  }
0x2: {  	s1 =	rddreg [dreg:$0x1]  }
0x3: {  	s0 =	rddreg [dreg:$0x2];
	s2 =	simm.s32 $0x0;
	s3 =	srdreg.scid  }
0x4: {  	s11 =	simm.s32 $0x100;
	s12 =	simm.s32 $0x48;
	s13 =	simm.s32 $0x4100  }
0x5: {  	s14 =	simm.s32 $0x6500;
	s15 =	simm.s32 $0xC900;
	s16 =	simm.s32 $0xCA00  }
0x6: {  	s17 =	simm.s32 $0xC980;
	s18 =	simm.s32 $0x10A00;
	s19 =	simm.s32 $0x12E00  }
0x7: {  	s20 =	simm.s32 $0x1;
	s21 =	simm.s32 $0x2;
	s22 =	simm.s32 $0x3  }
0x8: {  	s23 =	simm.s32 $0x4;
	s24 =	simm.s32 $0x0;
	[smem:$0x7FF] =	sst s2  }
0x9: {  	s7 =	sand.u32 $0x1, s3;
	s4 =	sadd.s32 $0x19600, s6;
	s3 =	stileid.u32  }
0xa: {  	s5 =	sadd.s32 $0x600, s6;
	s6 =	sadd.s32 $0xC99600, s6;
	s8 =	ssub.s32 $0x2, s7  }
0xb: {  	_ =	strace $0x80000047;
	s10 =	sshll.u32 s3, $0x1;
	s9 =	sshrl.u32 s8, $0x1  }
0xc: {  	s7 =	sor.u32 s7, s10;
	s10 =	simm.s32 $0x80;
	s8 =	ssub.s32 s8, s9  }
0xd: {  	s7 =	smul.u32 $0x6400, s7;
	s9 =	simm.s32 $0x5;
	s8 =	smax.u32 s8, $0x1  }
.LBB2_1:
0xe: {  	s25 =	simm.s32 $0x0  }
.LBB2_2:
0xf: {  	s26 =	smul.u32 $0x190, s25;
	p0 =	seq.s32 s25, $0x0  }
0x10: {  	s28 =	simm.s32 @!p0 $0x3  }
0x11: {  	s26 =	sadd.s32 s7, s26;
	_ =	swait.ge @!p0 [sflag:s28], $0x6400  }
0x12: {  	[sflag:s28] =	ssyncset.done @!p0 $0x0;
	s29 =	sshrl.u32 s26, $0x3  }
0x13: {  	[sflag:s28] =	ssyncadd.s32 @!p0 $0xFFFF9C00;
	s28 =	sadd.s32 s5, s29  }
0x14: {  	[tilespmem:s2], [sflag:$0x5] =	stream.linear.gather [hbm4b:s28+s2], $0xC8, $0x38;
	[tilespmem:$0x19200] =	vst v63  }
0x15: {  	_ =	swait.ge [sflag:s9], $0xC8  }
0x16: {  	[sflag:s9] =	ssyncset.done $0x0  }
0x17: {  	[sflag:s9] =	ssyncadd.s32 $0xFFFFFF38  }
0x18: {  	[tilespmem:s11], [sflag:$0x1] =	stream.indirect.gather [hbm4b:s6+s10], $0x80, s2, s10, $0xb8;
	[tilespmem:$0x19200] =	vst v63  }
0x19: {  	s28 =	sshll.u32 s26, $0x4  }
0x1a: {  	[tilespmem:s13], [sflag:$0x1] =	stream.indirect.gather [hbm4b:s6+s12], $0x80, s10, s12, $0xb8;
	[tilespmem:$0x19200] =	vst v63  }
0x1b: {  	s29 =	sadd.s32 s4, s28  }
0x1c: {  	[tilespmem:s14], [sflag:$0x1] =	stream.linear.gather [hbm4b:s29+s2], $0x6400, $0x38;
	[tilespmem:$0x19200] =	vst v63  }
0x1d: {  	s29 =	simm.s32 @!p0 $0x4  }
0x1e: {  	s26 =	sadd.s32 $0xC8, s26;
	_ =	swait.ge @!p0 [sflag:s29], $0x6400  }
0x1f: {  	s30 =	sshrl.u32 s26, $0x3;
	[sflag:s29] =	ssyncset.done @!p0 $0x0  }
0x20: {  	[sflag:s29] =	ssyncadd.s32 @!p0 $0xFFFF9C00;
	s29 =	sadd.s32 s5, s30;
	s30 =	simm.s32 $0x0  }
0x21: {  	[tilespmem:s15], [sflag:$0x5] =	stream.linear.gather [hbm4b:s29+s30], $0xC8, $0x38;
	[tilespmem:$0x19200] =	vst v63  }
0x22: {  	_ =	swait.ge [sflag:s9], $0xC8  }
0x23: {  	[sflag:s9] =	ssyncset.done $0x0  }
0x24: {  	[sflag:s9] =	ssyncadd.s32 $0xFFFFFF38  }
0x25: {  	[tilespmem:s16], [sflag:$0x2] =	stream.indirect.gather [hbm4b:s6+s10], $0x80, s15, s10, $0xb8;
	[tilespmem:$0x19200] =	vst v63  }
0x26: {  	s26 =	sshll.u32 s26, $0x4  }
0x27: {  	[tilespmem:s18], [sflag:$0x2] =	stream.indirect.gather [hbm4b:s6+s12], $0x80, s17, s12, $0xb8;
	[tilespmem:$0x19200] =	vst v63  }
0x28: {  	s29 =	sadd.s32 s4, s26  }
0x29: {  	[tilespmem:s19], [sflag:$0x2] =	stream.linear.gather [hbm4b:s29+s30], $0x6400, $0x38;
	[tilespmem:$0x19200] =	vst v63  }
0x2a: {  	_ =	swait.ge [sflag:s20], $0x4000  }
0x2b: {  	[sflag:s20] =	ssyncset.done $0x0  }
0x2c: {  	[sflag:s20] =	ssyncadd.s32 $0xFFFFC000  }
0x2d: {  	_ =	swait.ge [sflag:s20], $0x2400  }
0x2e: {  	[sflag:s20] =	ssyncset.done $0x0  }
0x2f: {  	[sflag:s20] =	ssyncadd.s32 $0xFFFFDC00  }
0x30: {  	_ =	swait.ge [sflag:s20], $0x6400  }
0x31: {  	[sflag:s20] =	ssyncset.done $0x0  }
0x32: {  	s29 =	simm.s32 $0x0;
	[sflag:s20] =	ssyncadd.s32 $0xFFFF9C00  }
0x33: {  	v0 =	vld [tilespmem:s29+$0x68B0]  }
0x34: {  	v1 =	vld [tilespmem:s29+$0x6500]  }
0x35: {  	v2 =	vld [tilespmem:s29+$0x6510]  }
0x36: {  	v3 =	vld [tilespmem:s29+$0x6520]  }
0x37: {  	v4 =	vld [tilespmem:s29+$0x6530]  }
0x38: {  	v5 =	vld [tilespmem:s29+$0x6580];
	[tilespmem:s29+$0x4B0] =	vst v0  }
0x39: {  	[tilespmem:s29+$0x100] =	vst v1;
	v0 =	vld [tilespmem:s29+$0x6590]  }
0x3a: {  	[tilespmem:s29+$0x110] =	vst v2;
	v1 =	vld [tilespmem:s29+$0x65A0]  }
0x3b: {  	[tilespmem:s29+$0x120] =	vst v3;
	v2 =	vld [tilespmem:s29+$0x65B0]  }
0x3c: {  	[tilespmem:s29+$0x130] =	vst v4;
	v3 =	vld [tilespmem:s29+$0x6600]  }
0x3d: {  	[tilespmem:s29+$0x180] =	vst v5;
	v4 =	vld [tilespmem:s29+$0x6610]  }
0x3e: {  	v5 =	vld [tilespmem:s29+$0x6810];
	[tilespmem:s29+$0x190] =	vst v0  }
0x3f: {  	v0 =	vld [tilespmem:s29+$0x6620];
	[tilespmem:s29+$0x1A0] =	vst v1  }
0x40: {  	v1 =	vld [tilespmem:s29+$0x6630];
	[tilespmem:s29+$0x1B0] =	vst v2  }
0x41: {  	v2 =	vld [tilespmem:s29+$0x6680];
	[tilespmem:s29+$0x200] =	vst v3  }
0x42: {  	v3 =	vld [tilespmem:s29+$0x6690];
	[tilespmem:s29+$0x210] =	vst v4  }
0x43: {  	v4 =	vld [tilespmem:s29+$0x66A0];
	[tilespmem:s29+$0x410] =	vst v5  }
0x44: {  	[tilespmem:s29+$0x220] =	vst v0;
	v0 =	vld [tilespmem:s29+$0x66B0]  }
0x45: {  	[tilespmem:s29+$0x230] =	vst v1;
	v1 =	vld [tilespmem:s29+$0x6700]  }
0x46: {  	[tilespmem:s29+$0x280] =	vst v2;
	v2 =	vld [tilespmem:s29+$0x6710]  }
0x47: {  	[tilespmem:s29+$0x290] =	vst v3;
	v3 =	vld [tilespmem:s29+$0x6720]  }
0x48: {  	[tilespmem:s29+$0x2A0] =	vst v4;
	v4 =	vld [tilespmem:s29+$0x6730]  }
0x49: {  	[tilespmem:s29+$0x2B0] =	vst v0;
	v0 =	vld [tilespmem:s29+$0x6780]  }
0x4a: {  	[tilespmem:s29+$0x300] =	vst v1;
	v1 =	vld [tilespmem:s29+$0x6790]  }
0x4b: {  	[tilespmem:s29+$0x310] =	vst v2;
	v2 =	vld [tilespmem:s29+$0x67A0]  }
0x4c: {  	[tilespmem:s29+$0x320] =	vst v3;
	v3 =	vld [tilespmem:s29+$0x67B0]  }
0x4d: {  	[tilespmem:s29+$0x330] =	vst v4;
	v4 =	vld [tilespmem:s29+$0x6800]  }
0x4e: {  	[tilespmem:s29+$0x380] =	vst v0;
	v0 =	vld [tilespmem:s29+$0x6820]  }
0x4f: {  	[tilespmem:s29+$0x390] =	vst v1;
	v1 =	vld [tilespmem:s29+$0x6830]  }
0x50: {  	[tilespmem:s29+$0x3A0] =	vst v2;
	v2 =	vld [tilespmem:s29+$0x6880]  }
0x51: {  	[tilespmem:s29+$0x3B0] =	vst v3;
	v3 =	vld [tilespmem:s29+$0x6890]  }
0x52: {  	s31 =	simm.s32 $0x400;
	s30 =	simm.s32 $0x2000;
	[tilespmem:s29+$0x400] =	vst v4;
	v4 =	vld [tilespmem:s29+$0x68A0]  }
.LBB2_3:
0x53: {  	p0 =	sne.s32 s30, $0x18000;
	v5 =	vld [tilespmem:s31+$0x68B0];
	[tilespmem:s29+$0x420] =	vst v0  }
0x54: {  	v0 =	vld [tilespmem:s31+$0x6500];
	[tilespmem:s29+$0x430] =	vst v1  }
0x55: {  	v1 =	vld [tilespmem:s31+$0x6510];
	[tilespmem:s29+$0x480] =	vst v2  }
0x56: {  	v2 =	vld [tilespmem:s31+$0x6520];
	[tilespmem:s29+$0x490] =	vst v3  }
0x57: {  	v3 =	vld [tilespmem:s31+$0x6530];
	[tilespmem:s29+$0x4A0] =	vst v4;
	s29 =	smov.u32 s31  }
0x58: {  	v4 =	vld [tilespmem:s29+$0x6580];
	[tilespmem:s29+$0x4B0] =	vst v5  }
0x59: {  	[tilespmem:s29+$0x100] =	vst v0;
	v0 =	vld [tilespmem:s29+$0x6590]  }
0x5a: {  	[tilespmem:s29+$0x110] =	vst v1;
	v1 =	vld [tilespmem:s29+$0x65A0]  }
0x5b: {  	[tilespmem:s29+$0x120] =	vst v2;
	v2 =	vld [tilespmem:s29+$0x65B0]  }
0x5c: {  	[tilespmem:s29+$0x130] =	vst v3;
	v3 =	vld [tilespmem:s29+$0x6600]  }
0x5d: {  	[tilespmem:s29+$0x180] =	vst v4;
	v4 =	vld [tilespmem:s29+$0x6610]  }
0x5e: {  	[tilespmem:s29+$0x190] =	vst v0;
	v0 =	vld [tilespmem:s29+$0x6620]  }
0x5f: {  	[tilespmem:s29+$0x1A0] =	vst v1;
	v1 =	vld [tilespmem:s29+$0x6630]  }
0x60: {  	[tilespmem:s29+$0x1B0] =	vst v2;
	v2 =	vld [tilespmem:s29+$0x6680]  }
0x61: {  	[tilespmem:s29+$0x200] =	vst v3;
	v3 =	vld [tilespmem:s29+$0x6690]  }
0x62: {  	[tilespmem:s29+$0x210] =	vst v4;
	v4 =	vld [tilespmem:s29+$0x66A0]  }
0x63: {  	[tilespmem:s29+$0x220] =	vst v0;
	v0 =	vld [tilespmem:s29+$0x66B0]  }
0x64: {  	[tilespmem:s29+$0x230] =	vst v1;
	v1 =	vld [tilespmem:s29+$0x6700]  }
0x65: {  	[tilespmem:s29+$0x280] =	vst v2;
	v2 =	vld [tilespmem:s29+$0x6710]  }
0x66: {  	[tilespmem:s29+$0x290] =	vst v3;
	v3 =	vld [tilespmem:s29+$0x6720]  }
0x67: {  	[tilespmem:s29+$0x2A0] =	vst v4;
	v4 =	vld [tilespmem:s29+$0x6730]  }
0x68: {  	[tilespmem:s29+$0x2B0] =	vst v0;
	v0 =	vld [tilespmem:s29+$0x6780]  }
0x69: {  	[tilespmem:s29+$0x300] =	vst v1;
	v1 =	vld [tilespmem:s29+$0x6790]  }
0x6a: {  	[tilespmem:s29+$0x310] =	vst v2;
	v2 =	vld [tilespmem:s29+$0x67A0]  }
0x6b: {  	[tilespmem:s29+$0x320] =	vst v3;
	v3 =	vld [tilespmem:s29+$0x67B0]  }
0x6c: {  	[tilespmem:s29+$0x330] =	vst v4;
	v4 =	vld [tilespmem:s29+$0x6800]  }
0x6d: {  	[tilespmem:s29+$0x380] =	vst v0;
	v5 =	vld [tilespmem:s29+$0x6810]  }
.Ltmp0:
0x6e: {  	[tilespmem:s29+$0x390] =	vst v1;
	v0 =	vld [tilespmem:s29+$0x6820];
	(pc) =	sbr.rel @p0 .LBB2_3-.Ltmp0, $4  }
0x6f: {  	[tilespmem:s29+$0x3A0] =	vst v2;
	v1 =	vld [tilespmem:s29+$0x6830]  }
0x70: {  	[tilespmem:s29+$0x3B0] =	vst v3;
	v2 =	vld [tilespmem:s29+$0x6880]  }
0x71: {  	[tilespmem:s29+$0x400] =	vst v4;
	v3 =	vld [tilespmem:s29+$0x6890]  }
0x72: {  	s31 =	sshra.s32 s30, $0x2;
	s30 =	sadd.s32 $0x1000, s30;
	[tilespmem:s29+$0x410] =	vst v5;
	v4 =	vld [tilespmem:s29+$0x68A0]  }
0x73: {  	v5 =	vld [tilespmem:s31+$0x68B0];
	[tilespmem:s29+$0x420] =	vst v0  }
0x74: {  	v0 =	vld [tilespmem:s31+$0x6500];
	[tilespmem:s29+$0x430] =	vst v1  }
0x75: {  	v1 =	vld [tilespmem:s31+$0x6510];
	[tilespmem:s29+$0x480] =	vst v2  }
0x76: {  	v2 =	vld [tilespmem:s31+$0x6520];
	[tilespmem:s29+$0x490] =	vst v3  }
0x77: {  	v3 =	vld [tilespmem:s31+$0x6530];
	[tilespmem:s29+$0x4A0] =	vst v4  }
0x78: {  	v4 =	vld [tilespmem:s31+$0x6580];
	[tilespmem:s31+$0x4B0] =	vst v5  }
0x79: {  	[tilespmem:s31+$0x100] =	vst v0;
	v0 =	vld [tilespmem:s31+$0x6590]  }
0x7a: {  	[tilespmem:s31+$0x110] =	vst v1;
	v1 =	vld [tilespmem:s31+$0x65A0]  }
0x7b: {  	[tilespmem:s31+$0x120] =	vst v2;
	v2 =	vld [tilespmem:s31+$0x65B0]  }
0x7c: {  	[tilespmem:s31+$0x130] =	vst v3;
	v3 =	vld [tilespmem:s31+$0x6600]  }
0x7d: {  	[tilespmem:s31+$0x180] =	vst v4;
	v4 =	vld [tilespmem:s31+$0x6610]  }
0x7e: {  	[tilespmem:s31+$0x190] =	vst v0;
	v0 =	vld [tilespmem:s31+$0x6620]  }
0x7f: {  	[tilespmem:s31+$0x1A0] =	vst v1;
	v1 =	vld [tilespmem:s31+$0x6630]  }
0x80: {  	[tilespmem:s31+$0x1B0] =	vst v2;
	v2 =	vld [tilespmem:s31+$0x6680]  }
0x81: {  	[tilespmem:s31+$0x200] =	vst v3;
	v3 =	vld [tilespmem:s31+$0x6690]  }
0x82: {  	[tilespmem:s31+$0x210] =	vst v4;
	v4 =	vld [tilespmem:s31+$0x66A0]  }
0x83: {  	[tilespmem:s31+$0x220] =	vst v0;
	v0 =	vld [tilespmem:s31+$0x66B0]  }
0x84: {  	[tilespmem:s31+$0x230] =	vst v1;
	v1 =	vld [tilespmem:s31+$0x6700]  }
0x85: {  	[tilespmem:s31+$0x280] =	vst v2;
	v2 =	vld [tilespmem:s31+$0x6710]  }
0x86: {  	[tilespmem:s31+$0x290] =	vst v3;
	v3 =	vld [tilespmem:s31+$0x6720]  }
0x87: {  	[tilespmem:s31+$0x2A0] =	vst v4;
	v4 =	vld [tilespmem:s31+$0x6730]  }
0x88: {  	[tilespmem:s31+$0x2B0] =	vst v0;
	v0 =	vld [tilespmem:s31+$0x6780]  }
0x89: {  	[tilespmem:s31+$0x300] =	vst v1;
	v1 =	vld [tilespmem:s31+$0x6790]  }
0x8a: {  	[tilespmem:s31+$0x310] =	vst v2;
	v2 =	vld [tilespmem:s31+$0x67A0]  }
0x8b: {  	[tilespmem:s31+$0x320] =	vst v3;
	v3 =	vld [tilespmem:s31+$0x67B0]  }
0x8c: {  	[tilespmem:s31+$0x330] =	vst v4;
	v4 =	vld [tilespmem:s31+$0x6800]  }
0x8d: {  	[tilespmem:s31+$0x380] =	vst v0;
	v0 =	vld [tilespmem:s31+$0x6810]  }
0x8e: {  	[tilespmem:s31+$0x390] =	vst v1;
	v1 =	vld [tilespmem:s31+$0x6820]  }
0x8f: {  	[tilespmem:s31+$0x3A0] =	vst v2;
	v2 =	vld [tilespmem:s31+$0x6830]  }
0x90: {  	[tilespmem:s31+$0x3B0] =	vst v3;
	v3 =	vld [tilespmem:s31+$0x6880]  }
0x91: {  	[tilespmem:s31+$0x400] =	vst v4;
	v4 =	vld [tilespmem:s31+$0x6890]  }
0x92: {  	[tilespmem:s31+$0x410] =	vst v0;
	v0 =	vld [tilespmem:s31+$0x68A0]  }
0x93: {  	[tilespmem:s31+$0x420] =	vst v1  }
0x94: {  	[tilespmem:s31+$0x430] =	vst v2  }
0x95: {  	[tilespmem:s31+$0x480] =	vst v3  }
0x96: {  	[tilespmem:s31+$0x490] =	vst v4  }
0x97: {  	s28 =	sadd.s32 s1, s28;
	s29 =	simm.s32 $0x0;
	[tilespmem:s31+$0x4A0] =	vst v0  }
0x98: {  	[hbm4b:s28+s29] =	stream.linear.scatter [tilespmem:s11], [sflag:$0x3], $0x6400, $0x38;
	[tilespmem:$0x19200] =	vst v63  }
0x99: {  	_ =	swait.ge [sflag:s21], $0x4000  }
0x9a: {  	[sflag:s21] =	ssyncset.done $0x0  }
0x9b: {  	[sflag:s21] =	ssyncadd.s32 $0xFFFFC000  }
0x9c: {  	_ =	swait.ge [sflag:s21], $0x2400  }
0x9d: {  	[sflag:s21] =	ssyncset.done $0x0  }
0x9e: {  	[sflag:s21] =	ssyncadd.s32 $0xFFFFDC00  }
0x9f: {  	_ =	swait.ge [sflag:s21], $0x6400  }
0xa0: {  	[sflag:s21] =	ssyncset.done $0x0  }
0xa1: {  	s28 =	simm.s32 $0x0;
	[sflag:s21] =	ssyncadd.s32 $0xFFFF9C00  }
0xa2: {  	v0 =	vld [tilespmem:s28+$0x131B0]  }
0xa3: {  	v1 =	vld [tilespmem:s28+$0x12E00]  }
0xa4: {  	v2 =	vld [tilespmem:s28+$0x12E10]  }
0xa5: {  	v3 =	vld [tilespmem:s28+$0x12E20]  }
0xa6: {  	v4 =	vld [tilespmem:s28+$0x12E30]  }
0xa7: {  	v5 =	vld [tilespmem:s28+$0x12E80];
	[tilespmem:s28+$0xCDB0] =	vst v0  }
0xa8: {  	[tilespmem:s28+$0xCA00] =	vst v1;
	v0 =	vld [tilespmem:s28+$0x12E90]  }
0xa9: {  	[tilespmem:s28+$0xCA10] =	vst v2;
	v1 =	vld [tilespmem:s28+$0x12EA0]  }
0xaa: {  	[tilespmem:s28+$0xCA20] =	vst v3;
	v2 =	vld [tilespmem:s28+$0x12EB0]  }
0xab: {  	[tilespmem:s28+$0xCA30] =	vst v4;
	v3 =	vld [tilespmem:s28+$0x12F00]  }
0xac: {  	[tilespmem:s28+$0xCA80] =	vst v5;
	v4 =	vld [tilespmem:s28+$0x12F10]  }
0xad: {  	v5 =	vld [tilespmem:s28+$0x13110];
	[tilespmem:s28+$0xCA90] =	vst v0  }
0xae: {  	v0 =	vld [tilespmem:s28+$0x12F20];
	[tilespmem:s28+$0xCAA0] =	vst v1  }
0xaf: {  	v1 =	vld [tilespmem:s28+$0x12F30];
	[tilespmem:s28+$0xCAB0] =	vst v2  }
0xb0: {  	v2 =	vld [tilespmem:s28+$0x12F80];
	[tilespmem:s28+$0xCB00] =	vst v3  }
0xb1: {  	v3 =	vld [tilespmem:s28+$0x12F90];
	[tilespmem:s28+$0xCB10] =	vst v4  }
0xb2: {  	v4 =	vld [tilespmem:s28+$0x12FA0];
	[tilespmem:s28+$0xCD10] =	vst v5  }
0xb3: {  	[tilespmem:s28+$0xCB20] =	vst v0;
	v0 =	vld [tilespmem:s28+$0x12FB0]  }
0xb4: {  	[tilespmem:s28+$0xCB30] =	vst v1;
	v1 =	vld [tilespmem:s28+$0x13000]  }
0xb5: {  	[tilespmem:s28+$0xCB80] =	vst v2;
	v2 =	vld [tilespmem:s28+$0x13010]  }
0xb6: {  	[tilespmem:s28+$0xCB90] =	vst v3;
	v3 =	vld [tilespmem:s28+$0x13020]  }
0xb7: {  	[tilespmem:s28+$0xCBA0] =	vst v4;
	v4 =	vld [tilespmem:s28+$0x13030]  }
0xb8: {  	[tilespmem:s28+$0xCBB0] =	vst v0;
	v0 =	vld [tilespmem:s28+$0x13080]  }
0xb9: {  	[tilespmem:s28+$0xCC00] =	vst v1;
	v1 =	vld [tilespmem:s28+$0x13090]  }
0xba: {  	[tilespmem:s28+$0xCC10] =	vst v2;
	v2 =	vld [tilespmem:s28+$0x130A0]  }
0xbb: {  	[tilespmem:s28+$0xCC20] =	vst v3;
	v3 =	vld [tilespmem:s28+$0x130B0]  }
0xbc: {  	[tilespmem:s28+$0xCC30] =	vst v4;
	v4 =	vld [tilespmem:s28+$0x13100]  }
0xbd: {  	[tilespmem:s28+$0xCC80] =	vst v0;
	v0 =	vld [tilespmem:s28+$0x13120]  }
0xbe: {  	[tilespmem:s28+$0xCC90] =	vst v1;
	v1 =	vld [tilespmem:s28+$0x13130]  }
0xbf: {  	[tilespmem:s28+$0xCCA0] =	vst v2;
	v2 =	vld [tilespmem:s28+$0x13180]  }
0xc0: {  	[tilespmem:s28+$0xCCB0] =	vst v3;
	v3 =	vld [tilespmem:s28+$0x13190]  }
0xc1: {  	s30 =	simm.s32 $0x400;
	s29 =	simm.s32 $0x2000;
	[tilespmem:s28+$0xCD00] =	vst v4;
	v4 =	vld [tilespmem:s28+$0x131A0]  }
.LBB2_5:
0xc2: {  	p0 =	sne.s32 s29, $0x18000;
	v5 =	vld [tilespmem:s30+$0x131B0];
	[tilespmem:s28+$0xCD20] =	vst v0  }
0xc3: {  	v0 =	vld [tilespmem:s30+$0x12E00];
	[tilespmem:s28+$0xCD30] =	vst v1  }
0xc4: {  	v1 =	vld [tilespmem:s30+$0x12E10];
	[tilespmem:s28+$0xCD80] =	vst v2  }
0xc5: {  	v2 =	vld [tilespmem:s30+$0x12E20];
	[tilespmem:s28+$0xCD90] =	vst v3  }
0xc6: {  	v3 =	vld [tilespmem:s30+$0x12E30];
	[tilespmem:s28+$0xCDA0] =	vst v4;
	s28 =	smov.u32 s30  }
0xc7: {  	v4 =	vld [tilespmem:s28+$0x12E80];
	[tilespmem:s28+$0xCDB0] =	vst v5  }
0xc8: {  	[tilespmem:s28+$0xCA00] =	vst v0;
	v0 =	vld [tilespmem:s28+$0x12E90]  }
0xc9: {  	[tilespmem:s28+$0xCA10] =	vst v1;
	v1 =	vld [tilespmem:s28+$0x12EA0]  }
0xca: {  	[tilespmem:s28+$0xCA20] =	vst v2;
	v2 =	vld [tilespmem:s28+$0x12EB0]  }
0xcb: {  	[tilespmem:s28+$0xCA30] =	vst v3;
	v3 =	vld [tilespmem:s28+$0x12F00]  }
0xcc: {  	[tilespmem:s28+$0xCA80] =	vst v4;
	v4 =	vld [tilespmem:s28+$0x12F10]  }
0xcd: {  	[tilespmem:s28+$0xCA90] =	vst v0;
	v0 =	vld [tilespmem:s28+$0x12F20]  }
0xce: {  	[tilespmem:s28+$0xCAA0] =	vst v1;
	v1 =	vld [tilespmem:s28+$0x12F30]  }
0xcf: {  	[tilespmem:s28+$0xCAB0] =	vst v2;
	v2 =	vld [tilespmem:s28+$0x12F80]  }
0xd0: {  	[tilespmem:s28+$0xCB00] =	vst v3;
	v3 =	vld [tilespmem:s28+$0x12F90]  }
0xd1: {  	[tilespmem:s28+$0xCB10] =	vst v4;
	v4 =	vld [tilespmem:s28+$0x12FA0]  }
0xd2: {  	[tilespmem:s28+$0xCB20] =	vst v0;
	v0 =	vld [tilespmem:s28+$0x12FB0]  }
0xd3: {  	[tilespmem:s28+$0xCB30] =	vst v1;
	v1 =	vld [tilespmem:s28+$0x13000]  }
0xd4: {  	[tilespmem:s28+$0xCB80] =	vst v2;
	v2 =	vld [tilespmem:s28+$0x13010]  }
0xd5: {  	[tilespmem:s28+$0xCB90] =	vst v3;
	v3 =	vld [tilespmem:s28+$0x13020]  }
0xd6: {  	[tilespmem:s28+$0xCBA0] =	vst v4;
	v4 =	vld [tilespmem:s28+$0x13030]  }
0xd7: {  	[tilespmem:s28+$0xCBB0] =	vst v0;
	v0 =	vld [tilespmem:s28+$0x13080]  }
0xd8: {  	[tilespmem:s28+$0xCC00] =	vst v1;
	v1 =	vld [tilespmem:s28+$0x13090]  }
0xd9: {  	[tilespmem:s28+$0xCC10] =	vst v2;
	v2 =	vld [tilespmem:s28+$0x130A0]  }
0xda: {  	[tilespmem:s28+$0xCC20] =	vst v3;
	v3 =	vld [tilespmem:s28+$0x130B0]  }
0xdb: {  	[tilespmem:s28+$0xCC30] =	vst v4;
	v4 =	vld [tilespmem:s28+$0x13100]  }
0xdc: {  	[tilespmem:s28+$0xCC80] =	vst v0;
	v5 =	vld [tilespmem:s28+$0x13110]  }
.Ltmp1:
0xdd: {  	[tilespmem:s28+$0xCC90] =	vst v1;
	v0 =	vld [tilespmem:s28+$0x13120];
	(pc) =	sbr.rel @p0 .LBB2_5-.Ltmp1, $4  }
0xde: {  	[tilespmem:s28+$0xCCA0] =	vst v2;
	v1 =	vld [tilespmem:s28+$0x13130]  }
0xdf: {  	[tilespmem:s28+$0xCCB0] =	vst v3;
	v2 =	vld [tilespmem:s28+$0x13180]  }
0xe0: {  	[tilespmem:s28+$0xCD00] =	vst v4;
	v3 =	vld [tilespmem:s28+$0x13190]  }
0xe1: {  	s30 =	sshra.s32 s29, $0x2;
	s29 =	sadd.s32 $0x1000, s29;
	[tilespmem:s28+$0xCD10] =	vst v5;
	v4 =	vld [tilespmem:s28+$0x131A0]  }
0xe2: {  	v5 =	vld [tilespmem:s30+$0x131B0];
	[tilespmem:s28+$0xCD20] =	vst v0  }
0xe3: {  	v0 =	vld [tilespmem:s30+$0x12E00];
	[tilespmem:s28+$0xCD30] =	vst v1  }
0xe4: {  	v1 =	vld [tilespmem:s30+$0x12E10];
	[tilespmem:s28+$0xCD80] =	vst v2  }
0xe5: {  	v2 =	vld [tilespmem:s30+$0x12E20];
	[tilespmem:s28+$0xCD90] =	vst v3  }
0xe6: {  	v3 =	vld [tilespmem:s30+$0x12E30];
	[tilespmem:s28+$0xCDA0] =	vst v4  }
0xe7: {  	v4 =	vld [tilespmem:s30+$0x12E80];
	[tilespmem:s30+$0xCDB0] =	vst v5  }
0xe8: {  	v38 =	vld [tilespmem:s30+$0x12E90];
	[tilespmem:s30+$0xCA00] =	vst v0  }
0xe9: {  	v39 =	vld [tilespmem:s30+$0x12EA0];
	[tilespmem:s30+$0xCA10] =	vst v1  }
0xea: {  	v40 =	vld [tilespmem:s30+$0x12EB0];
	[tilespmem:s30+$0xCA20] =	vst v2  }
0xeb: {  	v41 =	vld [tilespmem:s30+$0x12F00];
	[tilespmem:s30+$0xCA30] =	vst v3  }
0xec: {  	v42 =	vld [tilespmem:s30+$0x12F10];
	[tilespmem:s30+$0xCA80] =	vst v4  }
0xed: {  	v43 =	vld [tilespmem:s30+$0x12F20];
	[tilespmem:s30+$0xCA90] =	vst v38  }
0xee: {  	v44 =	vld [tilespmem:s30+$0x12F30];
	[tilespmem:s30+$0xCAA0] =	vst v39  }
0xef: {  	v45 =	vld [tilespmem:s30+$0x12F80];
	[tilespmem:s30+$0xCAB0] =	vst v40  }
0xf0: {  	v46 =	vld [tilespmem:s30+$0x12F90];
	[tilespmem:s30+$0xCB00] =	vst v41  }
0xf1: {  	v47 =	vld [tilespmem:s30+$0x12FA0];
	[tilespmem:s30+$0xCB10] =	vst v42  }
0xf2: {  	v48 =	vld [tilespmem:s30+$0x12FB0];
	[tilespmem:s30+$0xCB20] =	vst v43  }
0xf3: {  	v49 =	vld [tilespmem:s30+$0x13000];
	[tilespmem:s30+$0xCB30] =	vst v44  }
0xf4: {  	v50 =	vld [tilespmem:s30+$0x13010];
	[tilespmem:s30+$0xCB80] =	vst v45  }
0xf5: {  	v51 =	vld [tilespmem:s30+$0x13020];
	[tilespmem:s30+$0xCB90] =	vst v46  }
0xf6: {  	v52 =	vld [tilespmem:s30+$0x13030];
	[tilespmem:s30+$0xCBA0] =	vst v47  }
0xf7: {  	v53 =	vld [tilespmem:s30+$0x13080];
	[tilespmem:s30+$0xCBB0] =	vst v48  }
0xf8: {  	v54 =	vld [tilespmem:s30+$0x13090];
	[tilespmem:s30+$0xCC00] =	vst v49  }
0xf9: {  	v55 =	vld [tilespmem:s30+$0x130A0];
	[tilespmem:s30+$0xCC10] =	vst v50  }
0xfa: {  	v56 =	vld [tilespmem:s30+$0x130B0];
	[tilespmem:s30+$0xCC20] =	vst v51  }
0xfb: {  	v57 =	vld [tilespmem:s30+$0x13100];
	[tilespmem:s30+$0xCC30] =	vst v52  }
0xfc: {  	v58 =	vld [tilespmem:s30+$0x13110];
	[tilespmem:s30+$0xCC80] =	vst v53  }
0xfd: {  	v59 =	vld [tilespmem:s30+$0x13120];
	[tilespmem:s30+$0xCC90] =	vst v54  }
0xfe: {  	v60 =	vld [tilespmem:s30+$0x13130];
	[tilespmem:s30+$0xCCA0] =	vst v55  }
0xff: {  	v61 =	vld [tilespmem:s30+$0x13180];
	[tilespmem:s30+$0xCCB0] =	vst v56  }
0x100: {  	v62 =	vld [tilespmem:s30+$0x13190];
	[tilespmem:s30+$0xCD00] =	vst v57  }
0x101: {  	s25 =	sadd.s32 $0x1, s25;
	v63 =	vld [tilespmem:s30+$0x131A0];
	[tilespmem:s30+$0xCD10] =	vst v58  }
0x102: {  	p0 =	sne.s32 s25, $0x40;
	[tilespmem:s30+$0xCD20] =	vst v59  }
.Ltmp2:
0x103: {  	[tilespmem:s30+$0xCD30] =	vst v60;
	(pc) =	sbr.rel @p0 .LBB2_2-.Ltmp2, $4  }
0x104: {  	[tilespmem:s30+$0xCD80] =	vst v61  }
0x105: {  	[tilespmem:s30+$0xCD90] =	vst v62  }
0x106: {  	s26 =	sadd.s32 s1, s26;
	[tilespmem:s30+$0xCDA0] =	vst v63  }
0x107: {  	[hbm4b:s26+s2] =	stream.linear.scatter [tilespmem:s16], [sflag:$0x4], $0x6400, $0x38;
	[tilespmem:$0x19200] =	vst v63  }
0x108: {  	s24 =	sadd.s32 $0x1, s24  }
0x109: {  	_ =	swait.ge [sflag:s22], $0x6400;
	p0 =	sne.s32 s24, s8  }
.Ltmp3:
0x10a: {  	[sflag:s22] =	ssyncset.done $0x0;
	(pc) =	sbr.rel @p0 .LBB2_1-.Ltmp3, $4  }
0x10b: {  	[sflag:s22] =	ssyncadd.s32 $0xFFFF9C00  }
0x10c: {  	_ =	swait.ge [sflag:s23], $0x6400  }
0x10d: {  	[sflag:s23] =	ssyncset.done $0x0  }
0x10e: {  	[sflag:s23] =	ssyncadd.s32 $0xFFFF9C00  }
0x10f: {  	_ =	sfence.sel $0x180000  }
0x110: {  	[bflag:$0x0] =	sbarrier.arrive $0xFFFF  }
0x111: {  	p0 =	sne.s32 s3, $0x0;
	_ =	strace $0x90000047  }
0x112: {  	s0 =	sadd.s32 @!p0 $0x100000, s0;
	[bflag:$0x2] =	sbarrier.arrive $0xFFFF  }
0x113: {  	[sflag:s0] =	ssyncadd.tile.s32 @!p0 $0x1;
	_ =	shalt  }
.Lfunc_end2:
_tile_overlayer_lowered:
.L_overlay_start_2:
0x114: {  	(tag) =	ssettag $0x2  }
0x115: {  	s0 =	rddreg [dreg:$0x0];
	s2 =	stileid.u32  }
0x116: {  	s1 =	rddreg [dreg:$0x1];
	p0 =	sne.s32 s2, $0x0  }
0x117: {  	s3 =	rddreg [dreg:$0x2];
	[bflag:$0x3] =	sbarrier.arrive $0xFFFF;
	s2 =	simm.s32 @!p0 $0x1C05  }
0x118: {  	[timem:s3], [sflag:s2] =	dma.local @!p0 [hbm:s0], s1  }
0x119: {  	s0 =	simm.s32 @!p0 $0x5  }
0x11a: {  	_ =	swait.ge @!p0 [sflag:s0], s1  }
0x11b: {  	s1 =	ssub.s32 @!p0 $0x0, s1;
	[sflag:s0] =	ssyncset.done @!p0 $0x0  }
0x11c: {  	[sflag:s0] =	ssyncadd.s32 @!p0 s1  }
0x11d: {  	[bflag:$0x3] =	sbarrier.arrive $0xFFFF  }
0x11e: {  	_ =	shalt  }

</sc_bundles>
